<compile_context>
chip_gen: v7x
topology: tpu7x:2x2x1
jax: 0.10.2.dev20260603
libtpu: 0.0.44.dev20260713+nightly
codegen_flags: <defaults>
</compile_context>

<pallas_src>
import functools

import jax
import jax.numpy as jnp
from jax import lax
from jax.experimental import pallas as pl
from jax.experimental.pallas import tpu as pltpu
from jax.experimental.pallas import tpu_sc as plsc

_NUM_CORES = 2
_NUM_SUBCORES = 16
_NW = _NUM_CORES * _NUM_SUBCORES

_GPC = 8
_W = 104
_CHUNK = _GPC * _W


def _make_sc_gather(V, D, N):
  rows_per_w = N // _NW
  n_chunk = rows_per_w // _CHUNK
  assert rows_per_w % _CHUNK == 0 and N % _NW == 0

  mesh = plsc.VectorSubcoreMesh(core_axis_name="c", subcore_axis_name="s")

  @functools.partial(
      pl.kernel,
      mesh=mesh,
      compiler_params=pltpu.CompilerParams(use_tc_tiling_on_sc=False),
      out_type=jax.ShapeDtypeStruct((N, D), jnp.float32),
      scratch_types=[
          pltpu.VMEM((n_chunk, _GPC, _W), jnp.int32),
          pltpu.VMEM((2, _CHUNK, D), jnp.float32),
          pltpu.SemaphoreType.DMA,
      ],
  )
  def gather_kernel(x_hbm, table_hbm, out_hbm, idx_v, rows_v, gsem):
    wid = lax.axis_index("s") * _NUM_CORES + lax.axis_index("c")
    base = wid * rows_per_w

    pltpu.sync_copy(x_hbm.at[wid], idx_v)

    @pl.loop(0, n_chunk)
    def chunk_loop(c):
      b = lax.rem(c, 2)
      copies = []
      for g in range(_GPC):
        copies.append(
            pltpu.async_copy(
                table_hbm.at[idx_v.at[c, g]],
                rows_v.at[b, pl.ds(g * _W, _W)],
                gsem,
            ))

      @pl.when(c > 0)
      def _():
        pltpu.sync_copy(
            rows_v.at[1 - b],
            out_hbm.at[pl.ds(base + (c - 1) * _CHUNK, _CHUNK)])

      for cp in copies:
        cp.wait()

    pltpu.sync_copy(
        rows_v.at[(n_chunk - 1) % 2],
        out_hbm.at[pl.ds(base + (n_chunk - 1) * _CHUNK, _CHUNK)])

  return gather_kernel


def kernel(X, table):
  Bt, F = X.shape
  V, D = table.shape
  N = Bt * F
  x_flat = X.astype(jnp.int32).reshape(
      _NW, N // (_NW * _CHUNK), _GPC, _W)
  out = _make_sc_gather(V, D, N)(x_flat, table)
  return out.reshape(Bt, F, D)

# --- scband reference (transcript-rebuilt; emitter-appended) ---
"""Pipeline reference for scband-embedding-layer-8933531975856 (READ-ONLY COPY).

The authoritative reference and input builder live on the scoring server;
editing this copy changes nothing except your own understanding.
"""

import jax, jax.numpy as jnp
import numpy as np

VOCAB = 100000
EMBED_DIM = 64
BATCH = 4096
N_FIELDS = 26


def setup_inputs(seed: int = 0) -> dict:
    key = jax.random.key(seed)
    k1, k2 = jax.random.split(key)
    # Learned embedding table (corresponds to embedding_weights in __init__),
    # padding_idx=0 -> row 0 is zeroed.
    table = jax.random.normal(k1, (VOCAB, EMBED_DIM), dtype=jnp.float32)
    table = table.at[0].set(0.0)
    X = jax.random.randint(k2, (BATCH, N_FIELDS), 0, VOCAB, dtype=jnp.int64 if jax.config.read('jax_enable_x64') else jnp.int32)
    return {"X": X, "table": table}


def reference(X, table):
    # nn.Embedding forward: plain row gather from the table.
    return jnp.take(table, X, axis=0)

if __name__ == "__main__":
    import jax
    _d = setup_inputs()
    print(jax.jit(kernel)(*tuple(_d.values())))

</pallas_src>

<mosaic_0001>
#map = affine_map<(d0, d1) -> (0, 0, 0, 0)>
#map1 = affine_map<(d0, d1) -> (0, 0)>
module attributes {stable_mosaic.version = 14 : i64} {
  func.func @gather_kernel(%arg0: i32, %arg1: i32, %arg2: memref<32x4x8x104xi32, #tpu.memory_space<hbm>>, %arg3: memref<100000x64xf32, #tpu.memory_space<hbm>>, %arg4: memref<106496x64xf32, #tpu.memory_space<hbm>>, %arg5: memref<4x8x104xi32, #tpu.memory_space<vmem>>, %arg6: memref<2x832x64xf32, #tpu.memory_space<vmem>>, %arg7: memref<!tpu.dma_semaphore, #tpu.memory_space<semaphore_mem>>) attributes {dimension_semantics = [#tpu.dimension_semantics<core_parallel>, #tpu.dimension_semantics<subcore_parallel>], iteration_bounds = array<i64: 2, 16>, scalar_prefetch = 0 : i64, scratch_operands = 3 : i64, tpu.core_type = #tpu.core_type<sc_vector_subcore>, window_params = [{transform_indices = #map}, {transform_indices = #map1}, {transform_indices = #map1}]} {
    %mul3A = arith.constant 2 : i32
    %mul3A_0 = arith.muli %arg1, %mul3A : i32
    %add3A = arith.addi %mul3A_0, %arg0 : i32
    %mul3A_1 = arith.constant 3328 : i32
    %mul3A_2 = arith.muli %add3A, %mul3A_1 : i32
    "tpu.region"() ({
      %run_scoped3A_9 = tpu.sem_alloc : memref<!tpu.dma_semaphore, #tpu.memory_space<semaphore_mem>>
      %dma_start3A = arith.constant 0 : i32
      %dma_start3A_10 = arith.constant 0 : i32
      %dma_start3A_11 = arith.constant 0 : i32
      %dma_start3A_12 = tpu.memref_slice %arg2[%add3A, %dma_start3A, %dma_start3A_10, %dma_start3A_11] : memref<32x4x8x104xi32, #tpu.memory_space<hbm>> -> memref<1x4x8x104xi32, #tpu.memory_space<hbm>>
      %dma_start3A_13 = tpu.memref_squeeze %dma_start3A_12 : memref<1x4x8x104xi32, #tpu.memory_space<hbm>> -> memref<4x8x104xi32, #tpu.memory_space<hbm>>
      %dma_start3A_14 = arith.constant 0 : i32
      %dma_start3A_15 = arith.constant 0 : i32
      %dma_start3A_16 = arith.constant 0 : i32
      %dma_start3A_17 = tpu.memref_slice %arg2[%add3A, %dma_start3A_14, %dma_start3A_15, %dma_start3A_16] : memref<32x4x8x104xi32, #tpu.memory_space<hbm>> -> memref<1x4x8x104xi32, #tpu.memory_space<hbm>>
      %dma_start3A_18 = tpu.memref_squeeze %dma_start3A_17 : memref<1x4x8x104xi32, #tpu.memory_space<hbm>> -> memref<4x8x104xi32, #tpu.memory_space<hbm>>
      tpu.enqueue_dma source(%dma_start3A_18 : memref<4x8x104xi32, #tpu.memory_space<hbm>>) target(%arg5 : memref<4x8x104xi32, #tpu.memory_space<vmem>>) target_semaphore(%run_scoped3A_9 : memref<!tpu.dma_semaphore, #tpu.memory_space<semaphore_mem>>)
      %dma_wait3A = arith.constant 0 : i32
      %dma_wait3A_19 = arith.constant 0 : i32
      %dma_wait3A_20 = arith.constant 0 : i32
      %dma_wait3A_21 = tpu.memref_slice %arg2[%add3A, %dma_wait3A, %dma_wait3A_19, %dma_wait3A_20] : memref<32x4x8x104xi32, #tpu.memory_space<hbm>> -> memref<1x4x8x104xi32, #tpu.memory_space<hbm>>
      %dma_wait3A_22 = tpu.memref_squeeze %dma_wait3A_21 : memref<1x4x8x104xi32, #tpu.memory_space<hbm>> -> memref<4x8x104xi32, #tpu.memory_space<hbm>>
      %dma_wait3A_23 = arith.constant 0 : i32
      %dma_wait3A_24 = arith.constant 0 : i32
      %dma_wait3A_25 = arith.constant 0 : i32
      %dma_wait3A_26 = tpu.memref_slice %arg2[%add3A, %dma_wait3A_23, %dma_wait3A_24, %dma_wait3A_25] : memref<32x4x8x104xi32, #tpu.memory_space<hbm>> -> memref<1x4x8x104xi32, #tpu.memory_space<hbm>>
      %dma_wait3A_27 = tpu.memref_squeeze %dma_wait3A_26 : memref<1x4x8x104xi32, #tpu.memory_space<hbm>> -> memref<4x8x104xi32, #tpu.memory_space<hbm>>
      tpu.wait_dma2 semaphore(%run_scoped3A_9 : memref<!tpu.dma_semaphore, #tpu.memory_space<semaphore_mem>>) src(%dma_wait3A_27 : memref<4x8x104xi32, #tpu.memory_space<hbm>>) dst(%arg5 : memref<4x8x104xi32, #tpu.memory_space<vmem>>)
      tpu.yield
    }) : () -> ()
    %scan3A = arith.constant 0 : i32
    %scan3A_3 = arith.constant 4 : i32
    %scan3A_4 = arith.addi %scan3A, %scan3A_3 : i32
    %scan3A_5 = arith.constant 1 : i32
    scf.for %scan3A_9 = %scan3A to %scan3A_4 step %scan3A_5  : i32 {
      %mul3A_10 = arith.constant 1 : i32
      %mul3A_11 = arith.muli %scan3A_9, %mul3A_10 : i32
      %add3A_12 = arith.constant 0 : i32
      %add3A_13 = arith.addi %add3A_12, %mul3A_11 : i32
      %rem3A = arith.constant 2 : i32
      %rem3A_14 = arith.remsi %add3A_13, %rem3A : i32
      %dma_start3A = arith.constant 0 : i32
      %dma_start3A_15 = arith.constant 0 : i32
      %dma_start3A_16 = arith.constant 0 : i32
      %dma_start3A_17 = tpu.memref_slice %arg6[%rem3A_14, %dma_start3A_15, %dma_start3A_16] : memref<2x832x64xf32, #tpu.memory_space<vmem>> -> memref<1x104x64xf32, #tpu.memory_space<vmem>>
      %dma_start3A_18 = tpu.memref_squeeze %dma_start3A_17 : memref<1x104x64xf32, #tpu.memory_space<vmem>> -> memref<104x64xf32, #tpu.memory_space<vmem>>
      %dma_start3A_19 = arith.constant 0 : i32
      %dma_start3A_20 = tpu.memref_slice %arg5[%add3A_13, %dma_start3A, %dma_start3A_19] : memref<4x8x104xi32, #tpu.memory_space<vmem>> -> memref<1x1x104xi32, #tpu.memory_space<vmem>>
      %dma_start3A_21 = tpu.memref_squeeze %dma_start3A_20 : memref<1x1x104xi32, #tpu.memory_space<vmem>> -> memref<104xi32, #tpu.memory_space<vmem>>
      %dma_start3A_22 = arith.constant 0 : i32
      %dma_start3A_23 = arith.constant 0 : i32
      %dma_start3A_24 = tpu.memref_slice %arg3[%dma_start3A_22, %dma_start3A_23] : memref<100000x64xf32, #tpu.memory_space<hbm>> -> memref<100000x64xf32, #tpu.memory_space<hbm>>
      tpu.enqueue_indirect_dma source(%dma_start3A_24 : memref<100000x64xf32, #tpu.memory_space<hbm>>) target(%dma_start3A_18 : memref<104x64xf32, #tpu.memory_space<vmem>>) offsets(%dma_start3A_21 : memref<104xi32, #tpu.memory_space<vmem>>) semaphore(%arg7 : memref<!tpu.dma_semaphore, #tpu.memory_space<semaphore_mem>>)
      %dma_start3A_25 = arith.constant 1 : i32
      %dma_start3A_26 = arith.constant 104 : i32
      %dma_start3A_27 = arith.constant 0 : i32
      %dma_start3A_28 = tpu.memref_slice %arg6[%rem3A_14, %dma_start3A_26, %dma_start3A_27] : memref<2x832x64xf32, #tpu.memory_space<vmem>> -> memref<1x104x64xf32, #tpu.memory_space<vmem>>
      %dma_start3A_29 = tpu.memref_squeeze %dma_start3A_28 : memref<1x104x64xf32, #tpu.memory_space<vmem>> -> memref<104x64xf32, #tpu.memory_space<vmem>>
      %dma_start3A_30 = arith.constant 0 : i32
      %dma_start3A_31 = tpu.memref_slice %arg5[%add3A_13, %dma_start3A_25, %dma_start3A_30] : memref<4x8x104xi32, #tpu.memory_space<vmem>> -> memref<1x1x104xi32, #tpu.memory_space<vmem>>
      %dma_start3A_32 = tpu.memref_squeeze %dma_start3A_31 : memref<1x1x104xi32, #tpu.memory_space<vmem>> -> memref<104xi32, #tpu.memory_space<vmem>>
      %dma_start3A_33 = arith.constant 0 : i32
      %dma_start3A_34 = arith.constant 0 : i32
      %dma_start3A_35 = tpu.memref_slice %arg3[%dma_start3A_33, %dma_start3A_34] : memref<100000x64xf32, #tpu.memory_space<hbm>> -> memref<100000x64xf32, #tpu.memory_space<hbm>>
      tpu.enqueue_indirect_dma source(%dma_start3A_35 : memref<100000x64xf32, #tpu.memory_space<hbm>>) target(%dma_start3A_29 : memref<104x64xf32, #tpu.memory_space<vmem>>) offsets(%dma_start3A_32 : memref<104xi32, #tpu.memory_space<vmem>>) semaphore(%arg7 : memref<!tpu.dma_semaphore, #tpu.memory_space<semaphore_mem>>)
      %dma_start3A_36 = arith.constant 2 : i32
      %dma_start3A_37 = arith.constant 208 : i32
      %dma_start3A_38 = arith.constant 0 : i32
      %dma_start3A_39 = tpu.memref_slice %arg6[%rem3A_14, %dma_start3A_37, %dma_start3A_38] : memref<2x832x64xf32, #tpu.memory_space<vmem>> -> memref<1x104x64xf32, #tpu.memory_space<vmem>>
      %dma_start3A_40 = tpu.memref_squeeze %dma_start3A_39 : memref<1x104x64xf32, #tpu.memory_space<vmem>> -> memref<104x64xf32, #tpu.memory_space<vmem>>
      %dma_start3A_41 = arith.constant 0 : i32
      %dma_start3A_42 = tpu.memref_slice %arg5[%add3A_13, %dma_start3A_36, %dma_start3A_41] : memref<4x8x104xi32, #tpu.memory_space<vmem>> -> memref<1x1x104xi32, #tpu.memory_space<vmem>>
      %dma_start3A_43 = tpu.memref_squeeze %dma_start3A_42 : memref<1x1x104xi32, #tpu.memory_space<vmem>> -> memref<104xi32, #tpu.memory_space<vmem>>
      %dma_start3A_44 = arith.constant 0 : i32
      %dma_start3A_45 = arith.constant 0 : i32
      %dma_start3A_46 = tpu.memref_slice %arg3[%dma_start3A_44, %dma_start3A_45] : memref<100000x64xf32, #tpu.memory_space<hbm>> -> memref<100000x64xf32, #tpu.memory_space<hbm>>
      tpu.enqueue_indirect_dma source(%dma_start3A_46 : memref<100000x64xf32, #tpu.memory_space<hbm>>) target(%dma_start3A_40 : memref<104x64xf32, #tpu.memory_space<vmem>>) offsets(%dma_start3A_43 : memref<104xi32, #tpu.memory_space<vmem>>) semaphore(%arg7 : memref<!tpu.dma_semaphore, #tpu.memory_space<semaphore_mem>>)
      %dma_start3A_47 = arith.constant 3 : i32
      %dma_start3A_48 = arith.constant 312 : i32
      %dma_start3A_49 = arith.constant 0 : i32
      %dma_start3A_50 = tpu.memref_slice %arg6[%rem3A_14, %dma_start3A_48, %dma_start3A_49] : memref<2x832x64xf32, #tpu.memory_space<vmem>> -> memref<1x104x64xf32, #tpu.memory_space<vmem>>
      %dma_start3A_51 = tpu.memref_squeeze %dma_start3A_50 : memref<1x104x64xf32, #tpu.memory_space<vmem>> -> memref<104x64xf32, #tpu.memory_space<vmem>>
      %dma_start3A_52 = arith.constant 0 : i32
      %dma_start3A_53 = tpu.memref_slice %arg5[%add3A_13, %dma_start3A_47, %dma_start3A_52] : memref<4x8x104xi32, #tpu.memory_space<vmem>> -> memref<1x1x104xi32, #tpu.memory_space<vmem>>
      %dma_start3A_54 = tpu.memref_squeeze %dma_start3A_53 : memref<1x1x104xi32, #tpu.memory_space<vmem>> -> memref<104xi32, #tpu.memory_space<vmem>>
      %dma_start3A_55 = arith.constant 0 : i32
      %dma_start3A_56 = arith.constant 0 : i32
      %dma_start3A_57 = tpu.memref_slice %arg3[%dma_start3A_55, %dma_start3A_56] : memref<100000x64xf32, #tpu.memory_space<hbm>> -> memref<100000x64xf32, #tpu.memory_space<hbm>>
      tpu.enqueue_indirect_dma source(%dma_start3A_57 : memref<100000x64xf32, #tpu.memory_space<hbm>>) target(%dma_start3A_51 : memref<104x64xf32, #tpu.memory_space<vmem>>) offsets(%dma_start3A_54 : memref<104xi32, #tpu.memory_space<vmem>>) semaphore(%arg7 : memref<!tpu.dma_semaphore, #tpu.memory_space<semaphore_mem>>)
      %dma_start3A_58 = arith.constant 4 : i32
      %dma_start3A_59 = arith.constant 416 : i32
      %dma_start3A_60 = arith.constant 0 : i32
      %dma_start3A_61 = tpu.memref_slice %arg6[%rem3A_14, %dma_start3A_59, %dma_start3A_60] : memref<2x832x64xf32, #tpu.memory_space<vmem>> -> memref<1x104x64xf32, #tpu.memory_space<vmem>>
      %dma_start3A_62 = tpu.memref_squeeze %dma_start3A_61 : memref<1x104x64xf32, #tpu.memory_space<vmem>> -> memref<104x64xf32, #tpu.memory_space<vmem>>
      %dma_start3A_63 = arith.constant 0 : i32
      %dma_start3A_64 = tpu.memref_slice %arg5[%add3A_13, %dma_start3A_58, %dma_start3A_63] : memref<4x8x104xi32, #tpu.memory_space<vmem>> -> memref<1x1x104xi32, #tpu.memory_space<vmem>>
      %dma_start3A_65 = tpu.memref_squeeze %dma_start3A_64 : memref<1x1x104xi32, #tpu.memory_space<vmem>> -> memref<104xi32, #tpu.memory_space<vmem>>
      %dma_start3A_66 = arith.constant 0 : i32
      %dma_start3A_67 = arith.constant 0 : i32
      %dma_start3A_68 = tpu.memref_slice %arg3[%dma_start3A_66, %dma_start3A_67] : memref<100000x64xf32, #tpu.memory_space<hbm>> -> memref<100000x64xf32, #tpu.memory_space<hbm>>
      tpu.enqueue_indirect_dma source(%dma_start3A_68 : memref<100000x64xf32, #tpu.memory_space<hbm>>) target(%dma_start3A_62 : memref<104x64xf32, #tpu.memory_space<vmem>>) offsets(%dma_start3A_65 : memref<104xi32, #tpu.memory_space<vmem>>) semaphore(%arg7 : memref<!tpu.dma_semaphore, #tpu.memory_space<semaphore_mem>>)
      %dma_start3A_69 = arith.constant 5 : i32
      %dma_start3A_70 = arith.constant 520 : i32
      %dma_start3A_71 = arith.constant 0 : i32
      %dma_start3A_72 = tpu.memref_slice %arg6[%rem3A_14, %dma_start3A_70, %dma_start3A_71] : memref<2x832x64xf32, #tpu.memory_space<vmem>> -> memref<1x104x64xf32, #tpu.memory_space<vmem>>
      %dma_start3A_73 = tpu.memref_squeeze %dma_start3A_72 : memref<1x104x64xf32, #tpu.memory_space<vmem>> -> memref<104x64xf32, #tpu.memory_space<vmem>>
      %dma_start3A_74 = arith.constant 0 : i32
      %dma_start3A_75 = tpu.memref_slice %arg5[%add3A_13, %dma_start3A_69, %dma_start3A_74] : memref<4x8x104xi32, #tpu.memory_space<vmem>> -> memref<1x1x104xi32, #tpu.memory_space<vmem>>
      %dma_start3A_76 = tpu.memref_squeeze %dma_start3A_75 : memref<1x1x104xi32, #tpu.memory_space<vmem>> -> memref<104xi32, #tpu.memory_space<vmem>>
      %dma_start3A_77 = arith.constant 0 : i32
      %dma_start3A_78 = arith.constant 0 : i32
      %dma_start3A_79 = tpu.memref_slice %arg3[%dma_start3A_77, %dma_start3A_78] : memref<100000x64xf32, #tpu.memory_space<hbm>> -> memref<100000x64xf32, #tpu.memory_space<hbm>>
      tpu.enqueue_indirect_dma source(%dma_start3A_79 : memref<100000x64xf32, #tpu.memory_space<hbm>>) target(%dma_start3A_73 : memref<104x64xf32, #tpu.memory_space<vmem>>) offsets(%dma_start3A_76 : memref<104xi32, #tpu.memory_space<vmem>>) semaphore(%arg7 : memref<!tpu.dma_semaphore, #tpu.memory_space<semaphore_mem>>)
      %dma_start3A_80 = arith.constant 6 : i32
      %dma_start3A_81 = arith.constant 624 : i32
      %dma_start3A_82 = arith.constant 0 : i32
      %dma_start3A_83 = tpu.memref_slice %arg6[%rem3A_14, %dma_start3A_81, %dma_start3A_82] : memref<2x832x64xf32, #tpu.memory_space<vmem>> -> memref<1x104x64xf32, #tpu.memory_space<vmem>>
      %dma_start3A_84 = tpu.memref_squeeze %dma_start3A_83 : memref<1x104x64xf32, #tpu.memory_space<vmem>> -> memref<104x64xf32, #tpu.memory_space<vmem>>
      %dma_start3A_85 = arith.constant 0 : i32
      %dma_start3A_86 = tpu.memref_slice %arg5[%add3A_13, %dma_start3A_80, %dma_start3A_85] : memref<4x8x104xi32, #tpu.memory_space<vmem>> -> memref<1x1x104xi32, #tpu.memory_space<vmem>>
      %dma_start3A_87 = tpu.memref_squeeze %dma_start3A_86 : memref<1x1x104xi32, #tpu.memory_space<vmem>> -> memref<104xi32, #tpu.memory_space<vmem>>
      %dma_start3A_88 = arith.constant 0 : i32
      %dma_start3A_89 = arith.constant 0 : i32
      %dma_start3A_90 = tpu.memref_slice %arg3[%dma_start3A_88, %dma_start3A_89] : memref<100000x64xf32, #tpu.memory_space<hbm>> -> memref<100000x64xf32, #tpu.memory_space<hbm>>
      tpu.enqueue_indirect_dma source(%dma_start3A_90 : memref<100000x64xf32, #tpu.memory_space<hbm>>) target(%dma_start3A_84 : memref<104x64xf32, #tpu.memory_space<vmem>>) offsets(%dma_start3A_87 : memref<104xi32, #tpu.memory_space<vmem>>) semaphore(%arg7 : memref<!tpu.dma_semaphore, #tpu.memory_space<semaphore_mem>>)
      %dma_start3A_91 = arith.constant 7 : i32
      %dma_start3A_92 = arith.constant 728 : i32
      %dma_start3A_93 = arith.constant 0 : i32
      %dma_start3A_94 = tpu.memref_slice %arg6[%rem3A_14, %dma_start3A_92, %dma_start3A_93] : memref<2x832x64xf32, #tpu.memory_space<vmem>> -> memref<1x104x64xf32, #tpu.memory_space<vmem>>
      %dma_start3A_95 = tpu.memref_squeeze %dma_start3A_94 : memref<1x104x64xf32, #tpu.memory_space<vmem>> -> memref<104x64xf32, #tpu.memory_space<vmem>>
      %dma_start3A_96 = arith.constant 0 : i32
      %dma_start3A_97 = tpu.memref_slice %arg5[%add3A_13, %dma_start3A_91, %dma_start3A_96] : memref<4x8x104xi32, #tpu.memory_space<vmem>> -> memref<1x1x104xi32, #tpu.memory_space<vmem>>
      %dma_start3A_98 = tpu.memref_squeeze %dma_start3A_97 : memref<1x1x104xi32, #tpu.memory_space<vmem>> -> memref<104xi32, #tpu.memory_space<vmem>>
      %dma_start3A_99 = arith.constant 0 : i32
      %dma_start3A_100 = arith.constant 0 : i32
      %dma_start3A_101 = tpu.memref_slice %arg3[%dma_start3A_99, %dma_start3A_100] : memref<100000x64xf32, #tpu.memory_space<hbm>> -> memref<100000x64xf32, #tpu.memory_space<hbm>>
      tpu.enqueue_indirect_dma source(%dma_start3A_101 : memref<100000x64xf32, #tpu.memory_space<hbm>>) target(%dma_start3A_95 : memref<104x64xf32, #tpu.memory_space<vmem>>) offsets(%dma_start3A_98 : memref<104xi32, #tpu.memory_space<vmem>>) semaphore(%arg7 : memref<!tpu.dma_semaphore, #tpu.memory_space<semaphore_mem>>)
      %gt3A = arith.constant 0 : i32
      %gt3A_102 = arith.cmpi sgt, %add3A_13, %gt3A : i32
      %convert_element_type3A = arith.extui %gt3A_102 : i1 to i32
      %cond3A = arith.constant 0 : i32
      %cond3A_103 = arith.cmpi ne, %convert_element_type3A, %cond3A : i32
      scf.if %cond3A_103 {
        %sub3A = arith.constant 1 : i32
        %sub3A_191 = arith.subi %sub3A, %rem3A_14 : i32
        %sub3A_192 = arith.constant 1 : i32
        %sub3A_193 = arith.subi %add3A_13, %sub3A_192 : i32
        %mul3A_194 = arith.constant 832 : i32
        %mul3A_195 = arith.muli %sub3A_193, %mul3A_194 : i32
        %add3A_196 = arith.addi %mul3A_2, %mul3A_195 : i32
        "tpu.region"() ({
          %run_scoped3A_197 = tpu.sem_alloc : memref<!tpu.dma_semaphore, #tpu.memory_space<semaphore_mem>>
          %dma_start3A_198 = arith.constant 0 : i32
          %dma_start3A_199 = arith.constant 0 : i32
          %dma_start3A_200 = tpu.memref_slice %arg6[%sub3A_191, %dma_start3A_198, %dma_start3A_199] : memref<2x832x64xf32, #tpu.memory_space<vmem>> -> memref<1x832x64xf32, #tpu.memory_space<vmem>>
          %dma_start3A_201 = tpu.memref_squeeze %dma_start3A_200 : memref<1x832x64xf32, #tpu.memory_space<vmem>> -> memref<832x64xf32, #tpu.memory_space<vmem>>
          %dma_start3A_202 = arith.constant 0 : i32
          %dma_start3A_203 = tpu.memref_slice %arg4[%add3A_196, %dma_start3A_202] : memref<106496x64xf32, #tpu.memory_space<hbm>> -> memref<832x64xf32, #tpu.memory_space<hbm>>
          %dma_start3A_204 = arith.constant 0 : i32
          %dma_start3A_205 = tpu.memref_slice %arg4[%add3A_196, %dma_start3A_204] : memref<106496x64xf32, #tpu.memory_space<hbm>> -> memref<832x64xf32, #tpu.memory_space<hbm>>
          %dma_start3A_206 = arith.constant 0 : i32
          %dma_start3A_207 = arith.constant 0 : i32
          %dma_start3A_208 = tpu.memref_slice %arg6[%sub3A_191, %dma_start3A_206, %dma_start3A_207] : memref<2x832x64xf32, #tpu.memory_space<vmem>> -> memref<1x832x64xf32, #tpu.memory_space<vmem>>
          %dma_start3A_209 = tpu.memref_squeeze %dma_start3A_208 : memref<1x832x64xf32, #tpu.memory_space<vmem>> -> memref<832x64xf32, #tpu.memory_space<vmem>>
          tpu.enqueue_dma source(%dma_start3A_209 : memref<832x64xf32, #tpu.memory_space<vmem>>) target(%dma_start3A_205 : memref<832x64xf32, #tpu.memory_space<hbm>>) target_semaphore(%run_scoped3A_197 : memref<!tpu.dma_semaphore, #tpu.memory_space<semaphore_mem>>)
          %dma_wait3A_210 = arith.constant 0 : i32
          %dma_wait3A_211 = arith.constant 0 : i32
          %dma_wait3A_212 = tpu.memref_slice %arg6[%sub3A_191, %dma_wait3A_210, %dma_wait3A_211] : memref<2x832x64xf32, #tpu.memory_space<vmem>> -> memref<1x832x64xf32, #tpu.memory_space<vmem>>
          %dma_wait3A_213 = tpu.memref_squeeze %dma_wait3A_212 : memref<1x832x64xf32, #tpu.memory_space<vmem>> -> memref<832x64xf32, #tpu.memory_space<vmem>>
          %dma_wait3A_214 = arith.constant 0 : i32
          %dma_wait3A_215 = tpu.memref_slice %arg4[%add3A_196, %dma_wait3A_214] : memref<106496x64xf32, #tpu.memory_space<hbm>> -> memref<832x64xf32, #tpu.memory_space<hbm>>
          %dma_wait3A_216 = arith.constant 0 : i32
          %dma_wait3A_217 = tpu.memref_slice %arg4[%add3A_196, %dma_wait3A_216] : memref<106496x64xf32, #tpu.memory_space<hbm>> -> memref<832x64xf32, #tpu.memory_space<hbm>>
          %dma_wait3A_218 = arith.constant 0 : i32
          %dma_wait3A_219 = arith.constant 0 : i32
          %dma_wait3A_220 = tpu.memref_slice %arg6[%sub3A_191, %dma_wait3A_218, %dma_wait3A_219] : memref<2x832x64xf32, #tpu.memory_space<vmem>> -> memref<1x832x64xf32, #tpu.memory_space<vmem>>
          %dma_wait3A_221 = tpu.memref_squeeze %dma_wait3A_220 : memref<1x832x64xf32, #tpu.memory_space<vmem>> -> memref<832x64xf32, #tpu.memory_space<vmem>>
          tpu.wait_dma2 semaphore(%run_scoped3A_197 : memref<!tpu.dma_semaphore, #tpu.memory_space<semaphore_mem>>) src(%dma_wait3A_221 : memref<832x64xf32, #tpu.memory_space<vmem>>) dst(%dma_wait3A_217 : memref<832x64xf32, #tpu.memory_space<hbm>>)
          tpu.yield
        }) : () -> ()
      } else {
      }
      %dma_wait3A = arith.constant 0 : i32
      %dma_wait3A_104 = arith.constant 0 : i32
      %dma_wait3A_105 = arith.constant 0 : i32
      %dma_wait3A_106 = tpu.memref_slice %arg6[%rem3A_14, %dma_wait3A_104, %dma_wait3A_105] : memref<2x832x64xf32, #tpu.memory_space<vmem>> -> memref<1x104x64xf32, #tpu.memory_space<vmem>>
      %dma_wait3A_107 = tpu.memref_squeeze %dma_wait3A_106 : memref<1x104x64xf32, #tpu.memory_space<vmem>> -> memref<104x64xf32, #tpu.memory_space<vmem>>
      %dma_wait3A_108 = arith.constant 0 : i32
      %dma_wait3A_109 = tpu.memref_slice %arg5[%add3A_13, %dma_wait3A, %dma_wait3A_108] : memref<4x8x104xi32, #tpu.memory_space<vmem>> -> memref<1x1x104xi32, #tpu.memory_space<vmem>>
      %dma_wait3A_110 = tpu.memref_squeeze %dma_wait3A_109 : memref<1x1x104xi32, #tpu.memory_space<vmem>> -> memref<104xi32, #tpu.memory_space<vmem>>
      %dma_wait3A_111 = arith.constant 0 : i32
      %dma_wait3A_112 = arith.constant 0 : i32
      %dma_wait3A_113 = tpu.memref_slice %arg3[%dma_wait3A_111, %dma_wait3A_112] : memref<100000x64xf32, #tpu.memory_space<hbm>> -> memref<100000x64xf32, #tpu.memory_space<hbm>>
      tpu.wait_indirect_dma semaphore(%arg7 : memref<!tpu.dma_semaphore, #tpu.memory_space<semaphore_mem>>) src(%dma_wait3A_113 : memref<100000x64xf32, #tpu.memory_space<hbm>>) dst(%dma_wait3A_107 : memref<104x64xf32, #tpu.memory_space<vmem>>)
      %dma_wait3A_114 = arith.constant 1 : i32
      %dma_wait3A_115 = arith.constant 104 : i32
      %dma_wait3A_116 = arith.constant 0 : i32
      %dma_wait3A_117 = tpu.memref_slice %arg6[%rem3A_14, %dma_wait3A_115, %dma_wait3A_116] : memref<2x832x64xf32, #tpu.memory_space<vmem>> -> memref<1x104x64xf32, #tpu.memory_space<vmem>>
      %dma_wait3A_118 = tpu.memref_squeeze %dma_wait3A_117 : memref<1x104x64xf32, #tpu.memory_space<vmem>> -> memref<104x64xf32, #tpu.memory_space<vmem>>
      %dma_wait3A_119 = arith.constant 0 : i32
      %dma_wait3A_120 = tpu.memref_slice %arg5[%add3A_13, %dma_wait3A_114, %dma_wait3A_119] : memref<4x8x104xi32, #tpu.memory_space<vmem>> -> memref<1x1x104xi32, #tpu.memory_space<vmem>>
      %dma_wait3A_121 = tpu.memref_squeeze %dma_wait3A_120 : memref<1x1x104xi32, #tpu.memory_space<vmem>> -> memref<104xi32, #tpu.memory_space<vmem>>
      %dma_wait3A_122 = arith.constant 0 : i32
      %dma_wait3A_123 = arith.constant 0 : i32
      %dma_wait3A_124 = tpu.memref_slice %arg3[%dma_wait3A_122, %dma_wait3A_123] : memref<100000x64xf32, #tpu.memory_space<hbm>> -> memref<100000x64xf32, #tpu.memory_space<hbm>>
      tpu.wait_indirect_dma semaphore(%arg7 : memref<!tpu.dma_semaphore, #tpu.memory_space<semaphore_mem>>) src(%dma_wait3A_124 : memref<100000x64xf32, #tpu.memory_space<hbm>>) dst(%dma_wait3A_118 : memref<104x64xf32, #tpu.memory_space<vmem>>)
      %dma_wait3A_125 = arith.constant 2 : i32
      %dma_wait3A_126 = arith.constant 208 : i32
      %dma_wait3A_127 = arith.constant 0 : i32
      %dma_wait3A_128 = tpu.memref_slice %arg6[%rem3A_14, %dma_wait3A_126, %dma_wait3A_127] : memref<2x832x64xf32, #tpu.memory_space<vmem>> -> memref<1x104x64xf32, #tpu.memory_space<vmem>>
      %dma_wait3A_129 = tpu.memref_squeeze %dma_wait3A_128 : memref<1x104x64xf32, #tpu.memory_space<vmem>> -> memref<104x64xf32, #tpu.memory_space<vmem>>
      %dma_wait3A_130 = arith.constant 0 : i32
      %dma_wait3A_131 = tpu.memref_slice %arg5[%add3A_13, %dma_wait3A_125, %dma_wait3A_130] : memref<4x8x104xi32, #tpu.memory_space<vmem>> -> memref<1x1x104xi32, #tpu.memory_space<vmem>>
      %dma_wait3A_132 = tpu.memref_squeeze %dma_wait3A_131 : memref<1x1x104xi32, #tpu.memory_space<vmem>> -> memref<104xi32, #tpu.memory_space<vmem>>
      %dma_wait3A_133 = arith.constant 0 : i32
      %dma_wait3A_134 = arith.constant 0 : i32
      %dma_wait3A_135 = tpu.memref_slice %arg3[%dma_wait3A_133, %dma_wait3A_134] : memref<100000x64xf32, #tpu.memory_space<hbm>> -> memref<100000x64xf32, #tpu.memory_space<hbm>>
      tpu.wait_indirect_dma semaphore(%arg7 : memref<!tpu.dma_semaphore, #tpu.memory_space<semaphore_mem>>) src(%dma_wait3A_135 : memref<100000x64xf32, #tpu.memory_space<hbm>>) dst(%dma_wait3A_129 : memref<104x64xf32, #tpu.memory_space<vmem>>)
      %dma_wait3A_136 = arith.constant 3 : i32
      %dma_wait3A_137 = arith.constant 312 : i32
      %dma_wait3A_138 = arith.constant 0 : i32
      %dma_wait3A_139 = tpu.memref_slice %arg6[%rem3A_14, %dma_wait3A_137, %dma_wait3A_138] : memref<2x832x64xf32, #tpu.memory_space<vmem>> -> memref<1x104x64xf32, #tpu.memory_space<vmem>>
      %dma_wait3A_140 = tpu.memref_squeeze %dma_wait3A_139 : memref<1x104x64xf32, #tpu.memory_space<vmem>> -> memref<104x64xf32, #tpu.memory_space<vmem>>
      %dma_wait3A_141 = arith.constant 0 : i32
      %dma_wait3A_142 = tpu.memref_slice %arg5[%add3A_13, %dma_wait3A_136, %dma_wait3A_141] : memref<4x8x104xi32, #tpu.memory_space<vmem>> -> memref<1x1x104xi32, #tpu.memory_space<vmem>>
      %dma_wait3A_143 = tpu.memref_squeeze %dma_wait3A_142 : memref<1x1x104xi32, #tpu.memory_space<vmem>> -> memref<104xi32, #tpu.memory_space<vmem>>
      %dma_wait3A_144 = arith.constant 0 : i32
      %dma_wait3A_145 = arith.constant 0 : i32
      %dma_wait3A_146 = tpu.memref_slice %arg3[%dma_wait3A_144, %dma_wait3A_145] : memref<100000x64xf32, #tpu.memory_space<hbm>> -> memref<100000x64xf32, #tpu.memory_space<hbm>>
      tpu.wait_indirect_dma semaphore(%arg7 : memref<!tpu.dma_semaphore, #tpu.memory_space<semaphore_mem>>) src(%dma_wait3A_146 : memref<100000x64xf32, #tpu.memory_space<hbm>>) dst(%dma_wait3A_140 : memref<104x64xf32, #tpu.memory_space<vmem>>)
      %dma_wait3A_147 = arith.constant 4 : i32
      %dma_wait3A_148 = arith.constant 416 : i32
      %dma_wait3A_149 = arith.constant 0 : i32
      %dma_wait3A_150 = tpu.memref_slice %arg6[%rem3A_14, %dma_wait3A_148, %dma_wait3A_149] : memref<2x832x64xf32, #tpu.memory_space<vmem>> -> memref<1x104x64xf32, #tpu.memory_space<vmem>>
      %dma_wait3A_151 = tpu.memref_squeeze %dma_wait3A_150 : memref<1x104x64xf32, #tpu.memory_space<vmem>> -> memref<104x64xf32, #tpu.memory_space<vmem>>
      %dma_wait3A_152 = arith.constant 0 : i32
      %dma_wait3A_153 = tpu.memref_slice %arg5[%add3A_13, %dma_wait3A_147, %dma_wait3A_152] : memref<4x8x104xi32, #tpu.memory_space<vmem>> -> memref<1x1x104xi32, #tpu.memory_space<vmem>>
      %dma_wait3A_154 = tpu.memref_squeeze %dma_wait3A_153 : memref<1x1x104xi32, #tpu.memory_space<vmem>> -> memref<104xi32, #tpu.memory_space<vmem>>
      %dma_wait3A_155 = arith.constant 0 : i32
      %dma_wait3A_156 = arith.constant 0 : i32
      %dma_wait3A_157 = tpu.memref_slice %arg3[%dma_wait3A_155, %dma_wait3A_156] : memref<100000x64xf32, #tpu.memory_space<hbm>> -> memref<100000x64xf32, #tpu.memory_space<hbm>>
      tpu.wait_indirect_dma semaphore(%arg7 : memref<!tpu.dma_semaphore, #tpu.memory_space<semaphore_mem>>) src(%dma_wait3A_157 : memref<100000x64xf32, #tpu.memory_space<hbm>>) dst(%dma_wait3A_151 : memref<104x64xf32, #tpu.memory_space<vmem>>)
      %dma_wait3A_158 = arith.constant 5 : i32
      %dma_wait3A_159 = arith.constant 520 : i32
      %dma_wait3A_160 = arith.constant 0 : i32
      %dma_wait3A_161 = tpu.memref_slice %arg6[%rem3A_14, %dma_wait3A_159, %dma_wait3A_160] : memref<2x832x64xf32, #tpu.memory_space<vmem>> -> memref<1x104x64xf32, #tpu.memory_space<vmem>>
      %dma_wait3A_162 = tpu.memref_squeeze %dma_wait3A_161 : memref<1x104x64xf32, #tpu.memory_space<vmem>> -> memref<104x64xf32, #tpu.memory_space<vmem>>
      %dma_wait3A_163 = arith.constant 0 : i32
      %dma_wait3A_164 = tpu.memref_slice %arg5[%add3A_13, %dma_wait3A_158, %dma_wait3A_163] : memref<4x8x104xi32, #tpu.memory_space<vmem>> -> memref<1x1x104xi32, #tpu.memory_space<vmem>>
      %dma_wait3A_165 = tpu.memref_squeeze %dma_wait3A_164 : memref<1x1x104xi32, #tpu.memory_space<vmem>> -> memref<104xi32, #tpu.memory_space<vmem>>
      %dma_wait3A_166 = arith.constant 0 : i32
      %dma_wait3A_167 = arith.constant 0 : i32
      %dma_wait3A_168 = tpu.memref_slice %arg3[%dma_wait3A_166, %dma_wait3A_167] : memref<100000x64xf32, #tpu.memory_space<hbm>> -> memref<100000x64xf32, #tpu.memory_space<hbm>>
      tpu.wait_indirect_dma semaphore(%arg7 : memref<!tpu.dma_semaphore, #tpu.memory_space<semaphore_mem>>) src(%dma_wait3A_168 : memref<100000x64xf32, #tpu.memory_space<hbm>>) dst(%dma_wait3A_162 : memref<104x64xf32, #tpu.memory_space<vmem>>)
      %dma_wait3A_169 = arith.constant 6 : i32
      %dma_wait3A_170 = arith.constant 624 : i32
      %dma_wait3A_171 = arith.constant 0 : i32
      %dma_wait3A_172 = tpu.memref_slice %arg6[%rem3A_14, %dma_wait3A_170, %dma_wait3A_171] : memref<2x832x64xf32, #tpu.memory_space<vmem>> -> memref<1x104x64xf32, #tpu.memory_space<vmem>>
      %dma_wait3A_173 = tpu.memref_squeeze %dma_wait3A_172 : memref<1x104x64xf32, #tpu.memory_space<vmem>> -> memref<104x64xf32, #tpu.memory_space<vmem>>
      %dma_wait3A_174 = arith.constant 0 : i32
      %dma_wait3A_175 = tpu.memref_slice %arg5[%add3A_13, %dma_wait3A_169, %dma_wait3A_174] : memref<4x8x104xi32, #tpu.memory_space<vmem>> -> memref<1x1x104xi32, #tpu.memory_space<vmem>>
      %dma_wait3A_176 = tpu.memref_squeeze %dma_wait3A_175 : memref<1x1x104xi32, #tpu.memory_space<vmem>> -> memref<104xi32, #tpu.memory_space<vmem>>
      %dma_wait3A_177 = arith.constant 0 : i32
      %dma_wait3A_178 = arith.constant 0 : i32
      %dma_wait3A_179 = tpu.memref_slice %arg3[%dma_wait3A_177, %dma_wait3A_178] : memref<100000x64xf32, #tpu.memory_space<hbm>> -> memref<100000x64xf32, #tpu.memory_space<hbm>>
      tpu.wait_indirect_dma semaphore(%arg7 : memref<!tpu.dma_semaphore, #tpu.memory_space<semaphore_mem>>) src(%dma_wait3A_179 : memref<100000x64xf32, #tpu.memory_space<hbm>>) dst(%dma_wait3A_173 : memref<104x64xf32, #tpu.memory_space<vmem>>)
      %dma_wait3A_180 = arith.constant 7 : i32
      %dma_wait3A_181 = arith.constant 728 : i32
      %dma_wait3A_182 = arith.constant 0 : i32
      %dma_wait3A_183 = tpu.memref_slice %arg6[%rem3A_14, %dma_wait3A_181, %dma_wait3A_182] : memref<2x832x64xf32, #tpu.memory_space<vmem>> -> memref<1x104x64xf32, #tpu.memory_space<vmem>>
      %dma_wait3A_184 = tpu.memref_squeeze %dma_wait3A_183 : memref<1x104x64xf32, #tpu.memory_space<vmem>> -> memref<104x64xf32, #tpu.memory_space<vmem>>
      %dma_wait3A_185 = arith.constant 0 : i32
      %dma_wait3A_186 = tpu.memref_slice %arg5[%add3A_13, %dma_wait3A_180, %dma_wait3A_185] : memref<4x8x104xi32, #tpu.memory_space<vmem>> -> memref<1x1x104xi32, #tpu.memory_space<vmem>>
      %dma_wait3A_187 = tpu.memref_squeeze %dma_wait3A_186 : memref<1x1x104xi32, #tpu.memory_space<vmem>> -> memref<104xi32, #tpu.memory_space<vmem>>
      %dma_wait3A_188 = arith.constant 0 : i32
      %dma_wait3A_189 = arith.constant 0 : i32
      %dma_wait3A_190 = tpu.memref_slice %arg3[%dma_wait3A_188, %dma_wait3A_189] : memref<100000x64xf32, #tpu.memory_space<hbm>> -> memref<100000x64xf32, #tpu.memory_space<hbm>>
      tpu.wait_indirect_dma semaphore(%arg7 : memref<!tpu.dma_semaphore, #tpu.memory_space<semaphore_mem>>) src(%dma_wait3A_190 : memref<100000x64xf32, #tpu.memory_space<hbm>>) dst(%dma_wait3A_184 : memref<104x64xf32, #tpu.memory_space<vmem>>)
    }
    %scan3A_6 = arith.constant 4 : i32
    %add3A_7 = arith.constant 2496 : i32
    %add3A_8 = arith.addi %mul3A_2, %add3A_7 : i32
    %run_scoped3A = arith.constant 1 : i32
    "tpu.region"() ({
      %run_scoped3A_9 = tpu.sem_alloc : memref<!tpu.dma_semaphore, #tpu.memory_space<semaphore_mem>>
      %dma_start3A = arith.constant 0 : i32
      %dma_start3A_10 = arith.constant 0 : i32
      %dma_start3A_11 = tpu.memref_slice %arg6[%run_scoped3A, %dma_start3A, %dma_start3A_10] : memref<2x832x64xf32, #tpu.memory_space<vmem>> -> memref<1x832x64xf32, #tpu.memory_space<vmem>>
      %dma_start3A_12 = tpu.memref_squeeze %dma_start3A_11 : memref<1x832x64xf32, #tpu.memory_space<vmem>> -> memref<832x64xf32, #tpu.memory_space<vmem>>
      %dma_start3A_13 = arith.constant 0 : i32
      %dma_start3A_14 = tpu.memref_slice %arg4[%add3A_8, %dma_start3A_13] : memref<106496x64xf32, #tpu.memory_space<hbm>> -> memref<832x64xf32, #tpu.memory_space<hbm>>
      %dma_start3A_15 = arith.constant 0 : i32
      %dma_start3A_16 = tpu.memref_slice %arg4[%add3A_8, %dma_start3A_15] : memref<106496x64xf32, #tpu.memory_space<hbm>> -> memref<832x64xf32, #tpu.memory_space<hbm>>
      %dma_start3A_17 = arith.constant 0 : i32
      %dma_start3A_18 = arith.constant 0 : i32
      %dma_start3A_19 = tpu.memref_slice %arg6[%run_scoped3A, %dma_start3A_17, %dma_start3A_18] : memref<2x832x64xf32, #tpu.memory_space<vmem>> -> memref<1x832x64xf32, #tpu.memory_space<vmem>>
      %dma_start3A_20 = tpu.memref_squeeze %dma_start3A_19 : memref<1x832x64xf32, #tpu.memory_space<vmem>> -> memref<832x64xf32, #tpu.memory_space<vmem>>
      tpu.enqueue_dma source(%dma_start3A_20 : memref<832x64xf32, #tpu.memory_space<vmem>>) target(%dma_start3A_16 : memref<832x64xf32, #tpu.memory_space<hbm>>) target_semaphore(%run_scoped3A_9 : memref<!tpu.dma_semaphore, #tpu.memory_space<semaphore_mem>>)
      %dma_wait3A = arith.constant 0 : i32
      %dma_wait3A_21 = arith.constant 0 : i32
      %dma_wait3A_22 = tpu.memref_slice %arg6[%run_scoped3A, %dma_wait3A, %dma_wait3A_21] : memref<2x832x64xf32, #tpu.memory_space<vmem>> -> memref<1x832x64xf32, #tpu.memory_space<vmem>>
      %dma_wait3A_23 = tpu.memref_squeeze %dma_wait3A_22 : memref<1x832x64xf32, #tpu.memory_space<vmem>> -> memref<832x64xf32, #tpu.memory_space<vmem>>
      %dma_wait3A_24 = arith.constant 0 : i32
      %dma_wait3A_25 = tpu.memref_slice %arg4[%add3A_8, %dma_wait3A_24] : memref<106496x64xf32, #tpu.memory_space<hbm>> -> memref<832x64xf32, #tpu.memory_space<hbm>>
      %dma_wait3A_26 = arith.constant 0 : i32
      %dma_wait3A_27 = tpu.memref_slice %arg4[%add3A_8, %dma_wait3A_26] : memref<106496x64xf32, #tpu.memory_space<hbm>> -> memref<832x64xf32, #tpu.memory_space<hbm>>
      %dma_wait3A_28 = arith.constant 0 : i32
      %dma_wait3A_29 = arith.constant 0 : i32
      %dma_wait3A_30 = tpu.memref_slice %arg6[%run_scoped3A, %dma_wait3A_28, %dma_wait3A_29] : memref<2x832x64xf32, #tpu.memory_space<vmem>> -> memref<1x832x64xf32, #tpu.memory_space<vmem>>
      %dma_wait3A_31 = tpu.memref_squeeze %dma_wait3A_30 : memref<1x832x64xf32, #tpu.memory_space<vmem>> -> memref<832x64xf32, #tpu.memory_space<vmem>>
      tpu.wait_dma2 semaphore(%run_scoped3A_9 : memref<!tpu.dma_semaphore, #tpu.memory_space<semaphore_mem>>) src(%dma_wait3A_31 : memref<832x64xf32, #tpu.memory_space<vmem>>) dst(%dma_wait3A_27 : memref<832x64xf32, #tpu.memory_space<hbm>>)
      tpu.yield
    }) : () -> ()
    return
  }
}

</mosaic_0001>

<sc_bundles>
// kernel: kernel.3.cloned.1.call-start
scs
__scs_entry_jumppad:
0x0: {  	(pc) =	sbr.rel $0x88, $3  }
0x1: {  	(tag) =	ssettag $0x0;
	lr =	simm.s32 $0x1  }
0x2: {  	[smem:$0x3F9F] =	sst lr;
	_ =	strace $0xD0000000  }
0x3: {  	_ = 	snop  }
0x4: {  	_ = 	snop  }
0x5: {  	_ = 	snop  }
0x6: {  	_ = 	snop  }
0x7: {  	_ = 	snop  }
__scs_overlays_trampoline_lowered:
0x8: {  	[smem:$0x3FAE] =	sst s0  }
0x9: {  	[smem:$0x3FAF] =	sst s1  }
0xa: {  	[smem:$0x3FB0] =	sst s2  }
0xb: {  	[smem:$0x3FB1] =	sst s3  }
0xc: {  	[smem:$0x3FB2] =	sst s4  }
0xd: {  	[smem:$0x3FB3] =	sst s5  }
0xe: {  	[smem:$0x3FB4] =	sst s6  }
0xf: {  	[smem:$0x3FB5] =	sst s7  }
0x10: {  	[smem:$0x3FB6] =	sst s8  }
0x11: {  	[smem:$0x3FB7] =	sst s9;
	s0 =	simm.s32 @!p0 $0x0  }
0x12: {  	s1 =	sld [smem:$0x3F9D];
	s0 =	simm.s32 @p0 $0x1  }
0x13: {  	[smem:$0x3FB8] =	sst s0;
	s0 =	simm.s32 @!p1 $0x0  }
0x14: {  	s2 =	sld [smem:$0x3F9C];
	s0 =	simm.s32 @p1 $0x1  }
0x15: {  	[smem:$0x3FB9] =	sst s0;
	s0 =	simm.s32 @!p2 $0x0  }
0x16: {  	s3 =	sld [smem:$0x3FDB];
	s0 =	simm.s32 @p2 $0x1  }
0x17: {  	s4 =	simm.s32 $0x1BF5;
	[smem:$0x3FBB] =	sst s0  }
0x18: {  	s0 =	sld [smem:$0x3F9E];
	_ =	swait.ge [sflag:s4], $0x0  }
0x19: {  	s7 =	sld [smem:$0x3F9F]  }
0x1a: {  	s8 =	sadd.s32 $0xFFFFE003, lr  }
0x1b: {  	s9 =	sadd.s32 $0xFFFFFEF7, lr;
	s5 =	simm.s32 $0xFFFFFFFF;
	p2 =	slt.u32 s8, $0xFFFFF086  }
0x1c: {  	p1 =	slt.u32 s9, $0xF7A;
	s5 =	simm.s32 @!p2 $0x0  }
0x1d: {  	s5 =	simm.s32 @p1 $0x1;
	p0 =	seq.s32 s7, s2  }
0x1e: {  	s7 =	smul.u32 @!p0 $0xF7A, s2;
	p2 =	seq.s32 @!p0 s5, $0x0  }
0x1f: {  	s9 =	smul.u32 $0xF7A, s1;
	s8 =	simm.s32 @!p0 $0x1BF5;
	p2 =	por !p2, p0  }
0x20: {  	[sflag:s8] =	ssyncset.s32 @!p0 $0xFFFFF086;
	s6 =	sadd.s32 @!p0 s3, s7;
	s7 =	simm.s32 @!p0 $0x108  }
0x21: {  	s3 =	sadd.s32 s3, s9;
	s6 =	sadd.s32 @!p0 $0x88, s6;
	s7 =	simm.s32 @p2 $0x1082  }
0x22: {  	[simem:s7], [sflag:s8] =	dma.local @!p0 [hbm:s6], $0xF7A  }
0x23: {  	s9 =	sor.u32 $0xD0000000, s2;
	s6 =	simm.s32 $0x108;
	_ =	swait.ge @!p0 [sflag:s8], $0x0  }
0x24: {  	s3 =	sadd.s32 $0x88, s3;
	s6 =	simm.s32 @!p1 $0x1082;
	[sflag:s4] =	ssyncset.s32 $0xFFFFF086  }
0x25: {  	[simem:s6], [sflag:s4] =	dma.local [hbm:s3], $0xF7A  }
0x26: {  	[smem:$0x3F9F] =	sst s1;
	(tag) =	ssettag s2;
	_ =	strace s9  }
0x27: {  	s1 =	sld [smem:$0x3FAF]  }
0x28: {  	s2 =	sld [smem:$0x3FB0]  }
0x29: {  	s4 =	sld [smem:$0x3FB2]  }
0x2a: {  	p0 =	seq.s32 s5, $0x0;
	s5 =	sld [smem:$0x3FB3]  }
0x2b: {  	s6 =	sld [smem:$0x3FB4]  }
0x2c: {  	s7 =	sld [smem:$0x3FB5]  }
0x2d: {  	s3 =	simm.s32 $0x108;
	s8 =	sld [smem:$0x3FB6]  }
0x2e: {  	s3 =	simm.s32 @!p0 $0x1082;
	s9 =	sld [smem:$0x3FB7]  }
0x2f: {  	lr =	sadd.s32 s0, s3;
	s0 =	sld [smem:$0x3FAE]  }
0x30: {  	s3 =	sld [smem:$0x3FB1]  }
0x31: {  	[smem:$0x3FBA] =	sst s10  }
0x32: {  	s10 =	sld [smem:$0x3FB8];
	_ =	sdelay $0x3  }
0x33: {  	p0 =	seq.s32 s10, $0x1;
	s10 =	sld [smem:$0x3FBA];
	_ =	sdelay $0x3  }
0x34: {  	[smem:$0x3FBA] =	sst s10  }
0x35: {  	s10 =	sld [smem:$0x3FB9];
	_ =	sdelay $0x3  }
0x36: {  	p1 =	seq.s32 s10, $0x1;
	s10 =	sld [smem:$0x3FBA];
	_ =	sdelay $0x3  }
0x37: {  	[smem:$0x3FBA] =	sst s10  }
0x38: {  	s10 =	sld [smem:$0x3FBB]  }
0x39: {  	_ = 	snop;
	(pc) =	sbr.ind lr, $3  }
0x3a: {  	_ = 	snop  }
0x3b: {  	_ = 	snop  }
0x3c: {  	p2 =	seq.s32 s10, $0x1;
	s10 =	sld [smem:$0x3FBA]  }
0x3d: {  	_ =	shalt  }
0x3e: {  	_ =	shalt  }
0x3f: {  	_ =	shalt  }
0x40: {  	_ =	shalt  }
0x41: {  	_ =	shalt  }
0x42: {  	_ =	shalt  }
0x43: {  	_ =	shalt  }
0x44: {  	_ =	shalt  }
0x45: {  	_ =	shalt  }
0x46: {  	_ =	shalt  }
0x47: {  	_ =	shalt  }
0x48: {  	_ =	shalt  }
0x49: {  	_ =	shalt  }
0x4a: {  	_ =	shalt  }
0x4b: {  	_ =	shalt  }
0x4c: {  	_ =	shalt  }
0x4d: {  	_ =	shalt  }
0x4e: {  	_ =	shalt  }
0x4f: {  	_ =	shalt  }
0x50: {  	_ =	shalt  }
0x51: {  	_ =	shalt  }
0x52: {  	_ =	shalt  }
0x53: {  	_ =	shalt  }
0x54: {  	_ =	shalt  }
0x55: {  	_ =	shalt  }
0x56: {  	_ =	shalt  }
0x57: {  	_ =	shalt  }
0x58: {  	_ =	shalt  }
0x59: {  	_ =	shalt  }
0x5a: {  	_ =	shalt  }
0x5b: {  	_ =	shalt  }
0x5c: {  	_ =	shalt  }
0x5d: {  	_ =	shalt  }
0x5e: {  	_ =	shalt  }
0x5f: {  	_ =	shalt  }
0x60: {  	_ =	shalt  }
0x61: {  	_ =	shalt  }
0x62: {  	_ =	shalt  }
0x63: {  	_ =	shalt  }
0x64: {  	_ =	shalt  }
0x65: {  	_ =	shalt  }
0x66: {  	_ =	shalt  }
0x67: {  	_ =	shalt  }
0x68: {  	_ =	shalt  }
0x69: {  	_ =	shalt  }
0x6a: {  	_ =	shalt  }
0x6b: {  	_ =	shalt  }
0x6c: {  	_ =	shalt  }
0x6d: {  	_ =	shalt  }
0x6e: {  	_ =	shalt  }
0x6f: {  	_ =	shalt  }
0x70: {  	_ =	shalt  }
0x71: {  	_ =	shalt  }
0x72: {  	_ =	shalt  }
0x73: {  	_ =	shalt  }
0x74: {  	_ =	shalt  }
0x75: {  	_ =	shalt  }
0x76: {  	_ =	shalt  }
0x77: {  	_ =	shalt  }
0x78: {  	_ =	shalt  }
0x79: {  	_ =	shalt  }
0x7a: {  	_ =	shalt  }
0x7b: {  	_ =	shalt  }
0x7c: {  	_ =	shalt  }
0x7d: {  	_ =	shalt  }
0x7e: {  	_ =	shalt  }
0x7f: {  	_ =	shalt  }
0x80: {  	_ =	shalt  }
0x81: {  	_ =	shalt  }
0x82: {  	_ =	shalt  }
0x83: {  	_ =	shalt  }
0x84: {  	_ =	shalt  }
0x85: {  	_ =	shalt  }
0x86: {  	_ =	shalt  }
0x87: {  	_ =	shalt  }
.Lfunc_end0:
.L_simem_size_0:
called_computation_lowered:
.L_overlay_start_0:
0x88: {  	s2 =	sld [smem:$0x3FD9]  }
0x89: {  	s3 =	sld [smem:$0x3FFE];
	_ =	sdelay $0x1  }
0x8a: {  	s1 =	srdreg.scid  }
0x8b: {  	s0 =	sand.u32 $0x1, s1  }
0x8c: {  	s17 =	sshll.u32 s0, $0xA;
	s2 =	sadd.s32 s3, s2  }
0x8d: {  	s2 =	sadd.s32 s2, s17  }
0x8e: {  	[smem:$0x3FC6] =	sst s2  }
0x8f: {  	_ = 	snop  }
0x90: {  	s2 =	sld [smem:$0x3FD0];
	(tm) =	ssettm $0x1  }
0x91: {  	s18 =	sld [smem:$0x3FFB];
	_ =	sdelay $0x3  }
0x92: {  	_ =	strace s18  }
0x93: {  	s3 =	sld [smem:$0x3FFC];
	_ =	sdelay $0x3  }
0x94: {  	_ =	strace s3  }
0x95: {  	s3 =	sld [smem:$0x3FFD];
	_ =	sdelay $0x3  }
0x96: {  	_ =	strace s3  }
0x97: {  	_ =	strace $0x8FFFFFFF  }
0x98: {  	s19 =	sld [smem:$0x3FDB];
	_ =	sdelay $0x1  }
0x99: {  	s4 =	simm.s32 $_scs_section_size  }
0x9a: {  	s5 =	simm.s32 $_size__tile_overlayer_lowered;
	s6 =	simm.s32 $_tile_overlayer_lowered  }
0x9b: {  	s22 =	simm.s32 $0x1BFF;
	s21 =	sshll.u32 s6, $0x1;
	s3 =	sadd.s32 s4, s19  }
0x9c: {  	s7 =	simm.s32 $0x0;
	s20 =	sshll.u32 s5, $0x1;
	s5 =	sadd.s32 s21, s3  }
0x9d: {  	[timem:s7], [sflag:s22] =	dma.local [hbm:s5], s20  }
0x9e: {  	_ =	swait.ge [sflag:s22], s20  }
0x9f: {  	s4 =	ssub.s32 $0x0, s20;
	[sflag:s22] =	ssyncset.done $0x0  }
0xa0: {  	[sflag:s22] =	ssyncadd.s32 s4;
	_ =	sdelay $0x1  }
0xa1: {  	s23 =	simm.s32 $0x1B8B  }
0xa2: {  	_ =	swait.ge [sflag:s23], $0x1  }
0xa3: {  	[sflag:s23] =	ssyncset.done $0x0  }
0xa4: {  	s25 =	simm.s32 $0x1B8E;
	s24 =	sld [smem:$0x3FFE];
	[sflag:s23] =	ssyncadd.s32 $0xFFFFFFFF  }
0xa5: {  	s26 =	simm.s32 $execute0_lowered;
	[smem:$0x3FD2] =	sst s25  }
0xa6: {  	s5 =	sshll.u32 s26, $0x1;
	_ =	strace $0x80000046;
	[dreg:$0x1] =	wrdreg $0xFFFFFFFF  }
0xa7: {  	s28 =	simm.s32 $_size_execute0_lowered;
	s3 =	sadd.s32 s3, s5;
	[dreg:$0x0] =	wrdreg $0x0  }
0xa8: {  	s5 =	sshll.u32 s28, $0x1;
	[dreg:$0x2] =	wrdreg s3  }
0xa9: {  	[dreg:$0x3] =	wrdreg s5  }
0xaa: {  	[dreg:$0x4] =	wrdreg $0xC0  }
0xab: {  	_ =	task [dreg:s7], $0x5FFFF  }
0xac: {  	[dreg:$0x1] =	wrdreg $0xFFFFFFFF  }
0xad: {  	[dreg:$0x0] =	wrdreg $0x60  }
0xae: {  	[dreg:$0x2] =	wrdreg s24  }
0xaf: {  	[dreg:$0x3] =	wrdreg s2  }
0xb0: {  	[dreg:$0x4] =	wrdreg $0x9  }
0xb1: {  	_ =	task.clear_ibuf [dreg:s7], $0x5FFFF;
	_ =	strace $0x90000046  }
0xb2: {  	s29 =	simm.s32 $0x9;
	_ =	strace $0x80000048  }
0xb3: {  	_ =	swait.ge [sflag:s29], $0x1  }
0xb4: {  	[sflag:s29] =	ssyncadd.s32 $0xFFFFFFFF  }
0xb5: {  	_ =	strace $0x90000048  }
0xb6: {  	_ =	sfence  }
0xb7: {  	s30 =	sld [smem:$0x0];
	_ =	sdelay $0x2  }
0xb8: {  	s31 =	sshll.u32 s1, $0xD;
	s1 =	sshrl.u32 s1, $0x2  }
0xb9: {  	s3 =	sand.u32 $0x4000, s31;
	s1 =	sadd.s32 s1, s30  }
0xba: {  	s0 =	sor.u32 s3, s0;
	s1 =	sshll.u32 s1, $0x11  }
0xbb: {  	s0 =	sor.u32 s1, s0  }
0xbc: {  	s0 =	sadd.s32 $0x8F2B, s0  }
0xbd: {  	[sflag:s0] =	ssyncadd.remote.s32 $0x1  }
0xbe: {  	_ =	sfence.sel $0xFFFF  }
0xbf: {  	[dreg:$0x0] =	wrdreg $0xFFFFFFFF;
	(pc) =	sbr.abs _section_cstart, $3  }
0xc0: {  	[dreg:$0x1] =	wrdreg $0xFFFFFFFF  }
0xc1: {  	_ =	task.clear_ibuf [dreg:s7], $0x2FFFF;
	_ =	strace $0x9FFFFFFF  }
0xc2: {  	(tm) =	ssettm $0x7FFFFFFF  }
0xc3: {  	_ =	shalt  }
tec
execute0_lowered:
.L_overlay_start_1:
0x0: {  	(tag) =	ssettag $0x1  }
0x1: {  	s0 =	srdreg.scid;
	s3 =	rddreg [dreg:$0x0]  }
0x2: {  	s24 =	stileid.u32;
	s4 =	rddreg [dreg:$0x1]  }
0x3: {  	s2 =	simm.s32 $0x0;
	s12 =	simm.s32 $0xD0;
	s14 =	simm.s32 $0x138  }
0x4: {  	s15 =	simm.s32 $0x1A0;
	s16 =	simm.s32 $0x208;
	s17 =	simm.s32 $0x270  }
0x5: {  	s18 =	simm.s32 $0x2D8;
	s8 =	simm.s32 $0xD00;
	[smem:$0x7FF] =	sst s2  }
0x6: {  	s19 =	simm.s32 $0x340;
	_ =	strace $0x80000047;
	[dreg:$0x7] =	wrdreg s12  }
0x7: {  	s20 =	simm.s32 $0x3A8;
	s22 =	simm.s32 $0x410;
	[dreg:$0x8] =	wrdreg s14  }
0x8: {  	s23 =	simm.s32 $0x478;
	s25 =	simm.s32 $0x4E0;
	[dreg:$0x9] =	wrdreg s15  }
0x9: {  	s26 =	simm.s32 $0x548;
	s7 =	simm.s32 $0x618;
	[dreg:$0xa] =	wrdreg s16  }
0xa: {  	s9 =	simm.s32 $0x680;
	p0 =	por $0x0, $0x0;
	[dreg:$0xb] =	wrdreg s17  }
0xb: {  	s28 =	simm.s32 $0xA90;
	s29 =	simm.s32 $0xAF8;
	[dreg:$0xc] =	wrdreg s18  }
0xc: {  	s30 =	simm.s32 $0xB60;
	s31 =	simm.s32 $0xBC8;
	[dreg:$0xd] =	wrdreg s19  }
0xd: {  	s0 =	sand.u32 $0x1, s0;
	s1 =	sshll.u32 s24, $0x1;
	[dreg:$0xe] =	wrdreg s20  }
0xe: {  	s1 =	sor.u32 s0, s1;
	s0 =	ssub.s32 $0x2, s0;
	[dreg:$0xf] =	wrdreg s22  }
0xf: {  	s16 =	simm.s32 $0x2700;
	s17 =	simm.s32 $0x4100;
	[dreg:$0x10] =	wrdreg s23  }
0x10: {  	s18 =	simm.s32 $0x5B00;
	s19 =	simm.s32 $0x7500;
	[dreg:$0x11] =	wrdreg s25  }
0x11: {  	s20 =	simm.s32 $0x8F00;
	s22 =	simm.s32 $0xA900;
	[dreg:$0x12] =	wrdreg s26  }
0x12: {  	s23 =	simm.s32 $0xC300;
	[dreg:$0x14] =	wrdreg s7;
	s7 =	simm.s32 $0xDD00  }
0x13: {  	[dreg:$0x15] =	wrdreg s9;
	s9 =	simm.s32 $0xF700;
	s12 =	simm.s32 $0x7B8  }
0x14: {  	s14 =	simm.s32 $0x888;
	s15 =	simm.s32 $0x8F0;
	s5 =	smul.u32 $0x1A0, s1  }
0x15: {  	s25 =	simm.s32 $0x958;
	s6 =	smul.u32 $0x34000, s1;
	[dreg:$0x18] =	wrdreg s12  }
0x16: {  	s26 =	simm.s32 $0x9C0;
	s1 =	smul.u32 $0x6800, s1;
	[dreg:$0x1a] =	wrdreg s14  }
0x17: {  	s13 =	sshrl.u32 s0, $0x1;
	s12 =	simm.s32 $0x14500;
	[dreg:$0x1b] =	wrdreg s15  }
0x18: {  	s14 =	simm.s32 $0x17900;
	s15 =	simm.s32 $0x19300;
	[dreg:$0x1c] =	wrdreg s25  }
0x19: {  	[dreg:$0x1d] =	wrdreg s26;
	s25 =	simm.s32 $0xC30;
	s26 =	simm.s32 $0xC98  }
0x1a: {  	s0 =	ssub.s32 s0, s13;
	s13 =	simm.s32 $0x820;
	s5 =	sadd.s32 s5, s3  }
0x1b: {  	s6 =	sshrl.u32 s6, $0x3;
	s21 =	sadd.s32 s4, s1;
	[dreg:$0x19] =	wrdreg s13  }
0x1c: {  	s13 =	simm.s32 $0x15F00;
	s5 =	sadd.s32 $0x400, s5;
	s6 =	sadd.s32 s4, s6  }
0x1d: {  	s1 =	sadd.s32 $0x1A00, s21;
	s4 =	sadd.s32 $0x18A200, s3;
	[dreg:$0x3] =	wrdreg s5  }
0x1e: {  	s11 =	sadd.s32 $0x3400, s21;
	[dreg:$0x5] =	wrdreg s1;
	s1 =	smax.u32 s0, $0x1  }
0x1f: {  	s10 =	sadd.s32 $0x4E00, s6;
	[dreg:$0x6] =	wrdreg s11;
	p1 =	sne.s32 s1, $0x1  }
.Ltmp0:
0x20: {  	s5 =	simm.s32 $0x5B0;
	[dreg:$0x4] =	wrdreg s10;
	(pc) =	sbr.rel @!p1 .LBB2_1-.Ltmp0, $4  }
0x21: {  	s3 =	simm.s32 $0x2;
	s11 =	simm.s32 $0x750;
	[dreg:$0x13] =	wrdreg s5  }
0x22: {  	s6 =	simm.s32 $0x68;
	s5 =	simm.s32 $0x1;
	[dreg:$0x17] =	wrdreg s11  }
0x23: {  	s10 =	simm.s32 $0x6E8;
	s11 =	simm.s32 $0x12B00;
	s0 =	rddreg [dreg:$0x3]  }
0x24: {  	s1 =	sadd.s32 $0xFFFFFFFF, s1;
	[dreg:$0x16] =	wrdreg s10;
	s10 =	simm.s32 $0x11100  }
0x25: {  	[tilespmem:s2], [sflag:$0x2] =	stream.linear.gather [hbm4b:s0+s2], $0xD00, $0x38;
	[tilespmem:$0x1AD00] =	vst v63  }
0x26: {  	_ =	swait.ge [sflag:s3], $0xD00  }
0x27: {  	[sflag:s3] =	ssyncset.done $0x0  }
0x28: {  	[sflag:s3] =	ssyncadd.s32 $0xFFFFF300  }
0x29: {  	[tilespmem:s8], [sflag:$0x1] =	stream.indirect.gather [hbm4b:s4+s6], $0x40, s2, s6, $0xb8;
	[tilespmem:$0x1AD00] =	vst v63  }
0x2a: {  	_ = 	snop  }
0x2b: {  	[tilespmem:s16], [sflag:$0x1] =	stream.indirect.gather [hbm4b:s4+s6], $0x40, s6, s6, $0xb8;
	[tilespmem:$0x1AD00] =	vst v63  }
0x2c: {  	s0 =	rddreg [dreg:$0x7]  }
0x2d: {  	[tilespmem:s17], [sflag:$0x1] =	stream.indirect.gather [hbm4b:s4+s6], $0x40, s0, s6, $0xb8;
	[tilespmem:$0x1AD00] =	vst v63  }
0x2e: {  	s24 =	smov.u32 s1;
	s1 =	rddreg [dreg:$0x8]  }
0x2f: {  	[tilespmem:s18], [sflag:$0x1] =	stream.indirect.gather [hbm4b:s4+s6], $0x40, s1, s6, $0xb8;
	[tilespmem:$0x1AD00] =	vst v63  }
0x30: {  	s0 =	rddreg [dreg:$0x9]  }
0x31: {  	[tilespmem:s19], [sflag:$0x1] =	stream.indirect.gather [hbm4b:s4+s6], $0x40, s0, s6, $0xb8;
	[tilespmem:$0x1AD00] =	vst v63  }
0x32: {  	s1 =	rddreg [dreg:$0xa]  }
0x33: {  	[tilespmem:s20], [sflag:$0x1] =	stream.indirect.gather [hbm4b:s4+s6], $0x40, s1, s6, $0xb8;
	[tilespmem:$0x1AD00] =	vst v63  }
0x34: {  	s0 =	rddreg [dreg:$0xb]  }
0x35: {  	[tilespmem:s22], [sflag:$0x1] =	stream.indirect.gather [hbm4b:s4+s6], $0x40, s0, s6, $0xb8;
	[tilespmem:$0x1AD00] =	vst v63  }
0x36: {  	s1 =	rddreg [dreg:$0xc]  }
0x37: {  	[tilespmem:s23], [sflag:$0x1] =	stream.indirect.gather [hbm4b:s4+s6], $0x40, s1, s6, $0xb8;
	[tilespmem:$0x1AD00] =	vst v63  }
0x38: {  	_ =	swait.ge [sflag:s5], $0x1A00  }
0x39: {  	[sflag:s5] =	ssyncset.done $0x0  }
0x3a: {  	[sflag:s5] =	ssyncadd.s32 $0xFFFFE600  }
0x3b: {  	_ =	swait.ge [sflag:s5], $0x1A00  }
0x3c: {  	[sflag:s5] =	ssyncset.done $0x0  }
0x3d: {  	[sflag:s5] =	ssyncadd.s32 $0xFFFFE600  }
0x3e: {  	_ =	swait.ge [sflag:s5], $0x1A00  }
0x3f: {  	[sflag:s5] =	ssyncset.done $0x0  }
0x40: {  	[sflag:s5] =	ssyncadd.s32 $0xFFFFE600  }
0x41: {  	_ =	swait.ge [sflag:s5], $0x1A00  }
0x42: {  	[sflag:s5] =	ssyncset.done $0x0  }
0x43: {  	[sflag:s5] =	ssyncadd.s32 $0xFFFFE600  }
0x44: {  	_ =	swait.ge [sflag:s5], $0x1A00  }
0x45: {  	[sflag:s5] =	ssyncset.done $0x0  }
0x46: {  	[sflag:s5] =	ssyncadd.s32 $0xFFFFE600  }
0x47: {  	_ =	swait.ge [sflag:s5], $0x1A00  }
0x48: {  	[sflag:s5] =	ssyncset.done $0x0  }
0x49: {  	[sflag:s5] =	ssyncadd.s32 $0xFFFFE600  }
0x4a: {  	_ =	swait.ge [sflag:s5], $0x1A00  }
0x4b: {  	[sflag:s5] =	ssyncset.done $0x0  }
0x4c: {  	[sflag:s5] =	ssyncadd.s32 $0xFFFFE600  }
0x4d: {  	_ =	swait.ge [sflag:s5], $0x1A00  }
0x4e: {  	[sflag:s5] =	ssyncset.done $0x0  }
0x4f: {  	s0 =	rddreg [dreg:$0xd];
	[sflag:s5] =	ssyncadd.s32 $0xFFFFE600  }
0x50: {  	[tilespmem:s7], [sflag:$0x1] =	stream.indirect.gather [hbm4b:s4+s6], $0x40, s0, s6, $0xb8;
	[tilespmem:$0x1AD00] =	vst v63  }
0x51: {  	s1 =	rddreg [dreg:$0xe]  }
0x52: {  	[tilespmem:s9], [sflag:$0x1] =	stream.indirect.gather [hbm4b:s4+s6], $0x40, s1, s6, $0xb8;
	[tilespmem:$0x1AD00] =	vst v63  }
0x53: {  	s0 =	rddreg [dreg:$0xf]  }
0x54: {  	[tilespmem:s10], [sflag:$0x1] =	stream.indirect.gather [hbm4b:s4+s6], $0x40, s0, s6, $0xb8;
	[tilespmem:$0x1AD00] =	vst v63  }
0x55: {  	s1 =	rddreg [dreg:$0x10]  }
0x56: {  	[tilespmem:s11], [sflag:$0x1] =	stream.indirect.gather [hbm4b:s4+s6], $0x40, s1, s6, $0xb8;
	[tilespmem:$0x1AD00] =	vst v63  }
0x57: {  	s0 =	rddreg [dreg:$0x11]  }
0x58: {  	[tilespmem:s12], [sflag:$0x1] =	stream.indirect.gather [hbm4b:s4+s6], $0x40, s0, s6, $0xb8;
	[tilespmem:$0x1AD00] =	vst v63  }
0x59: {  	s1 =	rddreg [dreg:$0x12]  }
0x5a: {  	[tilespmem:s13], [sflag:$0x1] =	stream.indirect.gather [hbm4b:s4+s6], $0x40, s1, s6, $0xb8;
	[tilespmem:$0x1AD00] =	vst v63  }
0x5b: {  	s0 =	rddreg [dreg:$0x13]  }
0x5c: {  	[tilespmem:s14], [sflag:$0x1] =	stream.indirect.gather [hbm4b:s4+s6], $0x40, s0, s6, $0xb8;
	[tilespmem:$0x1AD00] =	vst v63  }
0x5d: {  	s1 =	rddreg [dreg:$0x14]  }
0x5e: {  	[tilespmem:s15], [sflag:$0x1] =	stream.indirect.gather [hbm4b:s4+s6], $0x40, s1, s6, $0xb8;
	[tilespmem:$0x1AD00] =	vst v63  }
0x5f: {  	_ = 	snop  }
0x60: {  	[hbm4b:s21+s2] =	stream.linear.scatter [tilespmem:s8], [sflag:$0x2], $0xD000, $0x38;
	[tilespmem:$0x1AD00] =	vst v63  }
0x61: {  	_ =	swait.ge [sflag:s3], $0xD000  }
0x62: {  	[sflag:s3] =	ssyncset.done $0x0  }
0x63: {  	[sflag:s3] =	ssyncadd.s32 $0xFFFF3000  }
0x64: {  	_ =	swait.ge [sflag:s5], $0x1A00  }
0x65: {  	[sflag:s5] =	ssyncset.done $0x0  }
0x66: {  	[sflag:s5] =	ssyncadd.s32 $0xFFFFE600  }
0x67: {  	_ =	swait.ge [sflag:s5], $0x1A00  }
0x68: {  	[sflag:s5] =	ssyncset.done $0x0  }
0x69: {  	[sflag:s5] =	ssyncadd.s32 $0xFFFFE600  }
0x6a: {  	_ =	swait.ge [sflag:s5], $0x1A00  }
0x6b: {  	[sflag:s5] =	ssyncset.done $0x0  }
0x6c: {  	[sflag:s5] =	ssyncadd.s32 $0xFFFFE600  }
0x6d: {  	_ =	swait.ge [sflag:s5], $0x1A00  }
0x6e: {  	[sflag:s5] =	ssyncset.done $0x0  }
0x6f: {  	[sflag:s5] =	ssyncadd.s32 $0xFFFFE600  }
0x70: {  	_ =	swait.ge [sflag:s5], $0x1A00  }
0x71: {  	[sflag:s5] =	ssyncset.done $0x0  }
0x72: {  	[sflag:s5] =	ssyncadd.s32 $0xFFFFE600  }
0x73: {  	_ =	swait.ge [sflag:s5], $0x1A00  }
0x74: {  	[sflag:s5] =	ssyncset.done $0x0  }
0x75: {  	[sflag:s5] =	ssyncadd.s32 $0xFFFFE600  }
0x76: {  	_ =	swait.ge [sflag:s5], $0x1A00  }
0x77: {  	[sflag:s5] =	ssyncset.done $0x0  }
0x78: {  	[sflag:s5] =	ssyncadd.s32 $0xFFFFE600  }
0x79: {  	_ =	swait.ge [sflag:s5], $0x1A00  }
0x7a: {  	[sflag:s5] =	ssyncset.done $0x0  }
0x7b: {  	s0 =	rddreg [dreg:$0x15];
	[sflag:s5] =	ssyncadd.s32 $0xFFFFE600  }
0x7c: {  	[tilespmem:s8], [sflag:$0x1] =	stream.indirect.gather [hbm4b:s4+s6], $0x40, s0, s6, $0xb8;
	[tilespmem:$0x1AD00] =	vst v63  }
0x7d: {  	s1 =	rddreg [dreg:$0x16]  }
0x7e: {  	[tilespmem:s16], [sflag:$0x1] =	stream.indirect.gather [hbm4b:s4+s6], $0x40, s1, s6, $0xb8;
	[tilespmem:$0x1AD00] =	vst v63  }
0x7f: {  	s0 =	rddreg [dreg:$0x17]  }
0x80: {  	[tilespmem:s17], [sflag:$0x1] =	stream.indirect.gather [hbm4b:s4+s6], $0x40, s0, s6, $0xb8;
	[tilespmem:$0x1AD00] =	vst v63  }
0x81: {  	s1 =	rddreg [dreg:$0x18]  }
0x82: {  	[tilespmem:s18], [sflag:$0x1] =	stream.indirect.gather [hbm4b:s4+s6], $0x40, s1, s6, $0xb8;
	[tilespmem:$0x1AD00] =	vst v63  }
0x83: {  	s0 =	rddreg [dreg:$0x19]  }
0x84: {  	[tilespmem:s19], [sflag:$0x1] =	stream.indirect.gather [hbm4b:s4+s6], $0x40, s0, s6, $0xb8;
	[tilespmem:$0x1AD00] =	vst v63  }
0x85: {  	s1 =	rddreg [dreg:$0x1a]  }
0x86: {  	[tilespmem:s20], [sflag:$0x1] =	stream.indirect.gather [hbm4b:s4+s6], $0x40, s1, s6, $0xb8;
	[tilespmem:$0x1AD00] =	vst v63  }
0x87: {  	s0 =	rddreg [dreg:$0x1b]  }
0x88: {  	[tilespmem:s22], [sflag:$0x1] =	stream.indirect.gather [hbm4b:s4+s6], $0x40, s0, s6, $0xb8;
	[tilespmem:$0x1AD00] =	vst v63  }
0x89: {  	s1 =	rddreg [dreg:$0x1c]  }
0x8a: {  	[tilespmem:s23], [sflag:$0x1] =	stream.indirect.gather [hbm4b:s4+s6], $0x40, s1, s6, $0xb8;
	[tilespmem:$0x1AD00] =	vst v63  }
0x8b: {  	s0 =	rddreg [dreg:$0x5]  }
0x8c: {  	[hbm4b:s0+s2] =	stream.linear.scatter [tilespmem:s7], [sflag:$0x2], $0xD000, $0x38;
	[tilespmem:$0x1AD00] =	vst v63  }
0x8d: {  	_ =	swait.ge [sflag:s3], $0xD000  }
0x8e: {  	[sflag:s3] =	ssyncset.done $0x0  }
0x8f: {  	[sflag:s3] =	ssyncadd.s32 $0xFFFF3000  }
0x90: {  	_ =	swait.ge [sflag:s5], $0x1A00  }
0x91: {  	[sflag:s5] =	ssyncset.done $0x0  }
0x92: {  	[sflag:s5] =	ssyncadd.s32 $0xFFFFE600  }
0x93: {  	_ =	swait.ge [sflag:s5], $0x1A00  }
0x94: {  	[sflag:s5] =	ssyncset.done $0x0  }
0x95: {  	[sflag:s5] =	ssyncadd.s32 $0xFFFFE600  }
0x96: {  	_ =	swait.ge [sflag:s5], $0x1A00  }
0x97: {  	[sflag:s5] =	ssyncset.done $0x0  }
0x98: {  	[sflag:s5] =	ssyncadd.s32 $0xFFFFE600  }
0x99: {  	_ =	swait.ge [sflag:s5], $0x1A00  }
0x9a: {  	[sflag:s5] =	ssyncset.done $0x0  }
0x9b: {  	[sflag:s5] =	ssyncadd.s32 $0xFFFFE600  }
0x9c: {  	_ =	swait.ge [sflag:s5], $0x1A00  }
0x9d: {  	[sflag:s5] =	ssyncset.done $0x0  }
0x9e: {  	[sflag:s5] =	ssyncadd.s32 $0xFFFFE600  }
0x9f: {  	_ =	swait.ge [sflag:s5], $0x1A00  }
0xa0: {  	[sflag:s5] =	ssyncset.done $0x0  }
0xa1: {  	[sflag:s5] =	ssyncadd.s32 $0xFFFFE600  }
0xa2: {  	_ =	swait.ge [sflag:s5], $0x1A00  }
0xa3: {  	[sflag:s5] =	ssyncset.done $0x0  }
0xa4: {  	[sflag:s5] =	ssyncadd.s32 $0xFFFFE600  }
0xa5: {  	_ =	swait.ge [sflag:s5], $0x1A00  }
0xa6: {  	[sflag:s5] =	ssyncset.done $0x0  }
0xa7: {  	s1 =	rddreg [dreg:$0x1d];
	[sflag:s5] =	ssyncadd.s32 $0xFFFFE600  }
0xa8: {  	[tilespmem:s7], [sflag:$0x1] =	stream.indirect.gather [hbm4b:s4+s6], $0x40, s1, s6, $0xb8;
	[tilespmem:$0x1AD00] =	vst v63  }
0xa9: {  	s1 =	simm.s32 $0xA28  }
0xaa: {  	[tilespmem:s9], [sflag:$0x1] =	stream.indirect.gather [hbm4b:s4+s6], $0x40, s1, s6, $0xb8;
	[tilespmem:$0x1AD00] =	vst v63  }
0xab: {  	_ = 	snop  }
0xac: {  	[tilespmem:s10], [sflag:$0x1] =	stream.indirect.gather [hbm4b:s4+s6], $0x40, s28, s6, $0xb8;
	[tilespmem:$0x1AD00] =	vst v63  }
0xad: {  	_ = 	snop  }
0xae: {  	[tilespmem:s11], [sflag:$0x1] =	stream.indirect.gather [hbm4b:s4+s6], $0x40, s29, s6, $0xb8;
	[tilespmem:$0x1AD00] =	vst v63  }
0xaf: {  	_ = 	snop  }
0xb0: {  	[tilespmem:s12], [sflag:$0x1] =	stream.indirect.gather [hbm4b:s4+s6], $0x40, s30, s6, $0xb8;
	[tilespmem:$0x1AD00] =	vst v63  }
0xb1: {  	_ = 	snop  }
0xb2: {  	[tilespmem:s13], [sflag:$0x1] =	stream.indirect.gather [hbm4b:s4+s6], $0x40, s31, s6, $0xb8;
	[tilespmem:$0x1AD00] =	vst v63  }
0xb3: {  	_ = 	snop  }
0xb4: {  	[tilespmem:s14], [sflag:$0x1] =	stream.indirect.gather [hbm4b:s4+s6], $0x40, s25, s6, $0xb8;
	[tilespmem:$0x1AD00] =	vst v63  }
0xb5: {  	_ = 	snop  }
0xb6: {  	[tilespmem:s15], [sflag:$0x1] =	stream.indirect.gather [hbm4b:s4+s6], $0x40, s26, s6, $0xb8;
	[tilespmem:$0x1AD00] =	vst v63  }
0xb7: {  	s1 =	rddreg [dreg:$0x6]  }
0xb8: {  	[hbm4b:s1+s2] =	stream.linear.scatter [tilespmem:s8], [sflag:$0x2], $0xD000, $0x38;
	[tilespmem:$0x1AD00] =	vst v63  }
0xb9: {  	_ =	swait.ge [sflag:s3], $0xD000  }
0xba: {  	[sflag:s3] =	ssyncset.done $0x0  }
0xbb: {  	[sflag:s3] =	ssyncadd.s32 $0xFFFF3000  }
0xbc: {  	_ =	swait.ge [sflag:s5], $0x1A00  }
0xbd: {  	[sflag:s5] =	ssyncset.done $0x0  }
0xbe: {  	[sflag:s5] =	ssyncadd.s32 $0xFFFFE600  }
0xbf: {  	_ =	swait.ge [sflag:s5], $0x1A00  }
0xc0: {  	[sflag:s5] =	ssyncset.done $0x0  }
0xc1: {  	[sflag:s5] =	ssyncadd.s32 $0xFFFFE600  }
0xc2: {  	_ =	swait.ge [sflag:s5], $0x1A00  }
0xc3: {  	[sflag:s5] =	ssyncset.done $0x0  }
0xc4: {  	[sflag:s5] =	ssyncadd.s32 $0xFFFFE600  }
0xc5: {  	_ =	swait.ge [sflag:s5], $0x1A00  }
0xc6: {  	[sflag:s5] =	ssyncset.done $0x0  }
0xc7: {  	[sflag:s5] =	ssyncadd.s32 $0xFFFFE600  }
0xc8: {  	_ =	swait.ge [sflag:s5], $0x1A00  }
0xc9: {  	[sflag:s5] =	ssyncset.done $0x0  }
0xca: {  	[sflag:s5] =	ssyncadd.s32 $0xFFFFE600  }
0xcb: {  	_ =	swait.ge [sflag:s5], $0x1A00  }
0xcc: {  	[sflag:s5] =	ssyncset.done $0x0  }
0xcd: {  	[sflag:s5] =	ssyncadd.s32 $0xFFFFE600  }
0xce: {  	_ =	swait.ge [sflag:s5], $0x1A00  }
0xcf: {  	[sflag:s5] =	ssyncset.done $0x0  }
0xd0: {  	[sflag:s5] =	ssyncadd.s32 $0xFFFFE600  }
0xd1: {  	p1 =	sne.s32 s24, $0x1;
	_ =	swait.ge [sflag:s5], $0x1A00  }
.Ltmp1:
0xd2: {  	[sflag:s5] =	ssyncset.done $0x0;
	(pc) =	sbr.rel @!p1 .LBB2_3-.Ltmp1, $4  }
0xd3: {  	s1 =	rddreg [dreg:$0x4];
	[sflag:s5] =	ssyncadd.s32 $0xFFFFE600  }
0xd4: {  	[hbm4b:s1+s2] =	stream.linear.scatter [tilespmem:s7], [sflag:$0x2], $0xD000, $0x38;
	[tilespmem:$0x1AD00] =	vst v63  }
0xd5: {  	p0 =	por $0x1, $0x1;
	_ =	swait.ge [sflag:s3], $0xD000  }
0xd6: {  	s1 =	sadd.s32 $0xFFFFFFFF, s24;
	s0 =	rddreg [dreg:$0x3];
	[sflag:s3] =	ssyncset.done $0x0  }
.LBB2_4:
0xd7: {  	[sflag:s3] =	ssyncadd.s32 $0xFFFF3000  }
0xd8: {  	[tilespmem:s2], [sflag:$0x2] =	stream.linear.gather [hbm4b:s0+s2], $0xD00, $0x38;
	[tilespmem:$0x1AD00] =	vst v63  }
0xd9: {  	_ =	swait.ge [sflag:s3], $0xD00  }
0xda: {  	[sflag:s3] =	ssyncset.done $0x0  }
0xdb: {  	[sflag:s3] =	ssyncadd.s32 $0xFFFFF300  }
0xdc: {  	[tilespmem:s8], [sflag:$0x1] =	stream.indirect.gather [hbm4b:s4+s6], $0x40, s2, s6, $0xb8;
	[tilespmem:$0x1AD00] =	vst v63  }
0xdd: {  	_ = 	snop  }
0xde: {  	[tilespmem:s16], [sflag:$0x1] =	stream.indirect.gather [hbm4b:s4+s6], $0x40, s6, s6, $0xb8;
	[tilespmem:$0x1AD00] =	vst v63  }
0xdf: {  	s0 =	rddreg [dreg:$0x7]  }
0xe0: {  	[tilespmem:s17], [sflag:$0x1] =	stream.indirect.gather [hbm4b:s4+s6], $0x40, s0, s6, $0xb8;
	[tilespmem:$0x1AD00] =	vst v63  }
0xe1: {  	s24 =	rddreg [dreg:$0x8]  }
0xe2: {  	[tilespmem:s18], [sflag:$0x1] =	stream.indirect.gather [hbm4b:s4+s6], $0x40, s24, s6, $0xb8;
	[tilespmem:$0x1AD00] =	vst v63  }
0xe3: {  	s0 =	rddreg [dreg:$0x9]  }
0xe4: {  	[tilespmem:s19], [sflag:$0x1] =	stream.indirect.gather [hbm4b:s4+s6], $0x40, s0, s6, $0xb8;
	[tilespmem:$0x1AD00] =	vst v63  }
0xe5: {  	s24 =	rddreg [dreg:$0xa]  }
0xe6: {  	[tilespmem:s20], [sflag:$0x1] =	stream.indirect.gather [hbm4b:s4+s6], $0x40, s24, s6, $0xb8;
	[tilespmem:$0x1AD00] =	vst v63  }
0xe7: {  	s0 =	rddreg [dreg:$0xb]  }
0xe8: {  	[tilespmem:s22], [sflag:$0x1] =	stream.indirect.gather [hbm4b:s4+s6], $0x40, s0, s6, $0xb8;
	[tilespmem:$0x1AD00] =	vst v63  }
0xe9: {  	s24 =	rddreg [dreg:$0xc]  }
0xea: {  	[tilespmem:s23], [sflag:$0x1] =	stream.indirect.gather [hbm4b:s4+s6], $0x40, s24, s6, $0xb8;
	[tilespmem:$0x1AD00] =	vst v63  }
0xeb: {  	_ =	swait.ge [sflag:s5], $0x1A00  }
0xec: {  	[sflag:s5] =	ssyncset.done $0x0  }
0xed: {  	[sflag:s5] =	ssyncadd.s32 $0xFFFFE600  }
0xee: {  	_ =	swait.ge [sflag:s5], $0x1A00  }
0xef: {  	[sflag:s5] =	ssyncset.done $0x0  }
0xf0: {  	[sflag:s5] =	ssyncadd.s32 $0xFFFFE600  }
0xf1: {  	_ =	swait.ge [sflag:s5], $0x1A00  }
0xf2: {  	[sflag:s5] =	ssyncset.done $0x0  }
0xf3: {  	[sflag:s5] =	ssyncadd.s32 $0xFFFFE600  }
0xf4: {  	_ =	swait.ge [sflag:s5], $0x1A00  }
0xf5: {  	[sflag:s5] =	ssyncset.done $0x0  }
0xf6: {  	[sflag:s5] =	ssyncadd.s32 $0xFFFFE600  }
0xf7: {  	_ =	swait.ge [sflag:s5], $0x1A00  }
0xf8: {  	[sflag:s5] =	ssyncset.done $0x0  }
0xf9: {  	[sflag:s5] =	ssyncadd.s32 $0xFFFFE600  }
0xfa: {  	_ =	swait.ge [sflag:s5], $0x1A00  }
0xfb: {  	[sflag:s5] =	ssyncset.done $0x0  }
0xfc: {  	[sflag:s5] =	ssyncadd.s32 $0xFFFFE600  }
0xfd: {  	_ =	swait.ge [sflag:s5], $0x1A00  }
0xfe: {  	[sflag:s5] =	ssyncset.done $0x0  }
0xff: {  	[sflag:s5] =	ssyncadd.s32 $0xFFFFE600  }
0x100: {  	_ =	swait.ge [sflag:s5], $0x1A00  }
0x101: {  	[sflag:s5] =	ssyncset.done $0x0  }
0x102: {  	s0 =	rddreg [dreg:$0xd];
	[sflag:s5] =	ssyncadd.s32 $0xFFFFE600  }
0x103: {  	[tilespmem:s7], [sflag:$0x1] =	stream.indirect.gather [hbm4b:s4+s6], $0x40, s0, s6, $0xb8;
	[tilespmem:$0x1AD00] =	vst v63  }
0x104: {  	s24 =	rddreg [dreg:$0xe]  }
0x105: {  	[tilespmem:s9], [sflag:$0x1] =	stream.indirect.gather [hbm4b:s4+s6], $0x40, s24, s6, $0xb8;
	[tilespmem:$0x1AD00] =	vst v63  }
0x106: {  	s0 =	rddreg [dreg:$0xf]  }
0x107: {  	[tilespmem:s10], [sflag:$0x1] =	stream.indirect.gather [hbm4b:s4+s6], $0x40, s0, s6, $0xb8;
	[tilespmem:$0x1AD00] =	vst v63  }
0x108: {  	s24 =	rddreg [dreg:$0x10]  }
0x109: {  	[tilespmem:s11], [sflag:$0x1] =	stream.indirect.gather [hbm4b:s4+s6], $0x40, s24, s6, $0xb8;
	[tilespmem:$0x1AD00] =	vst v63  }
0x10a: {  	s0 =	rddreg [dreg:$0x11]  }
0x10b: {  	[tilespmem:s12], [sflag:$0x1] =	stream.indirect.gather [hbm4b:s4+s6], $0x40, s0, s6, $0xb8;
	[tilespmem:$0x1AD00] =	vst v63  }
0x10c: {  	s24 =	rddreg [dreg:$0x12]  }
0x10d: {  	[tilespmem:s13], [sflag:$0x1] =	stream.indirect.gather [hbm4b:s4+s6], $0x40, s24, s6, $0xb8;
	[tilespmem:$0x1AD00] =	vst v63  }
0x10e: {  	s0 =	rddreg [dreg:$0x13]  }
0x10f: {  	[tilespmem:s14], [sflag:$0x1] =	stream.indirect.gather [hbm4b:s4+s6], $0x40, s0, s6, $0xb8;
	[tilespmem:$0x1AD00] =	vst v63  }
0x110: {  	s24 =	rddreg [dreg:$0x14]  }
0x111: {  	[tilespmem:s15], [sflag:$0x1] =	stream.indirect.gather [hbm4b:s4+s6], $0x40, s24, s6, $0xb8;
	[tilespmem:$0x1AD00] =	vst v63  }
0x112: {  	_ = 	snop  }
0x113: {  	[hbm4b:s21+s2] =	stream.linear.scatter [tilespmem:s8], [sflag:$0x2], $0xD000, $0x38;
	[tilespmem:$0x1AD00] =	vst v63  }
0x114: {  	_ =	swait.ge [sflag:s3], $0xD000  }
0x115: {  	[sflag:s3] =	ssyncset.done $0x0  }
0x116: {  	[sflag:s3] =	ssyncadd.s32 $0xFFFF3000  }
0x117: {  	_ =	swait.ge [sflag:s5], $0x1A00  }
0x118: {  	[sflag:s5] =	ssyncset.done $0x0  }
0x119: {  	[sflag:s5] =	ssyncadd.s32 $0xFFFFE600  }
0x11a: {  	_ =	swait.ge [sflag:s5], $0x1A00  }
0x11b: {  	[sflag:s5] =	ssyncset.done $0x0  }
0x11c: {  	[sflag:s5] =	ssyncadd.s32 $0xFFFFE600  }
0x11d: {  	_ =	swait.ge [sflag:s5], $0x1A00  }
0x11e: {  	[sflag:s5] =	ssyncset.done $0x0  }
0x11f: {  	[sflag:s5] =	ssyncadd.s32 $0xFFFFE600  }
0x120: {  	_ =	swait.ge [sflag:s5], $0x1A00  }
0x121: {  	[sflag:s5] =	ssyncset.done $0x0  }
0x122: {  	[sflag:s5] =	ssyncadd.s32 $0xFFFFE600  }
0x123: {  	_ =	swait.ge [sflag:s5], $0x1A00  }
0x124: {  	[sflag:s5] =	ssyncset.done $0x0  }
0x125: {  	[sflag:s5] =	ssyncadd.s32 $0xFFFFE600  }
0x126: {  	_ =	swait.ge [sflag:s5], $0x1A00  }
0x127: {  	[sflag:s5] =	ssyncset.done $0x0  }
0x128: {  	[sflag:s5] =	ssyncadd.s32 $0xFFFFE600  }
0x129: {  	_ =	swait.ge [sflag:s5], $0x1A00  }
0x12a: {  	[sflag:s5] =	ssyncset.done $0x0  }
0x12b: {  	[sflag:s5] =	ssyncadd.s32 $0xFFFFE600  }
0x12c: {  	_ =	swait.ge [sflag:s5], $0x1A00  }
0x12d: {  	[sflag:s5] =	ssyncset.done $0x0  }
0x12e: {  	s0 =	rddreg [dreg:$0x15];
	[sflag:s5] =	ssyncadd.s32 $0xFFFFE600  }
0x12f: {  	[tilespmem:s8], [sflag:$0x1] =	stream.indirect.gather [hbm4b:s4+s6], $0x40, s0, s6, $0xb8;
	[tilespmem:$0x1AD00] =	vst v63  }
0x130: {  	s24 =	rddreg [dreg:$0x16]  }
0x131: {  	[tilespmem:s16], [sflag:$0x1] =	stream.indirect.gather [hbm4b:s4+s6], $0x40, s24, s6, $0xb8;
	[tilespmem:$0x1AD00] =	vst v63  }
0x132: {  	s0 =	rddreg [dreg:$0x17]  }
0x133: {  	[tilespmem:s17], [sflag:$0x1] =	stream.indirect.gather [hbm4b:s4+s6], $0x40, s0, s6, $0xb8;
	[tilespmem:$0x1AD00] =	vst v63  }
0x134: {  	s24 =	rddreg [dreg:$0x18]  }
0x135: {  	[tilespmem:s18], [sflag:$0x1] =	stream.indirect.gather [hbm4b:s4+s6], $0x40, s24, s6, $0xb8;
	[tilespmem:$0x1AD00] =	vst v63  }
0x136: {  	s0 =	rddreg [dreg:$0x19]  }
0x137: {  	[tilespmem:s19], [sflag:$0x1] =	stream.indirect.gather [hbm4b:s4+s6], $0x40, s0, s6, $0xb8;
	[tilespmem:$0x1AD00] =	vst v63  }
0x138: {  	s24 =	rddreg [dreg:$0x1a]  }
0x139: {  	[tilespmem:s20], [sflag:$0x1] =	stream.indirect.gather [hbm4b:s4+s6], $0x40, s24, s6, $0xb8;
	[tilespmem:$0x1AD00] =	vst v63  }
0x13a: {  	s0 =	rddreg [dreg:$0x1b]  }
0x13b: {  	[tilespmem:s22], [sflag:$0x1] =	stream.indirect.gather [hbm4b:s4+s6], $0x40, s0, s6, $0xb8;
	[tilespmem:$0x1AD00] =	vst v63  }
0x13c: {  	s24 =	rddreg [dreg:$0x1c]  }
0x13d: {  	[tilespmem:s23], [sflag:$0x1] =	stream.indirect.gather [hbm4b:s4+s6], $0x40, s24, s6, $0xb8;
	[tilespmem:$0x1AD00] =	vst v63  }
0x13e: {  	s0 =	rddreg [dreg:$0x5]  }
0x13f: {  	[hbm4b:s0+s2] =	stream.linear.scatter [tilespmem:s7], [sflag:$0x2], $0xD000, $0x38;
	[tilespmem:$0x1AD00] =	vst v63  }
0x140: {  	_ =	swait.ge [sflag:s3], $0xD000  }
0x141: {  	[sflag:s3] =	ssyncset.done $0x0  }
0x142: {  	[sflag:s3] =	ssyncadd.s32 $0xFFFF3000  }
0x143: {  	_ =	swait.ge [sflag:s5], $0x1A00  }
0x144: {  	[sflag:s5] =	ssyncset.done $0x0  }
0x145: {  	[sflag:s5] =	ssyncadd.s32 $0xFFFFE600  }
0x146: {  	_ =	swait.ge [sflag:s5], $0x1A00  }
0x147: {  	[sflag:s5] =	ssyncset.done $0x0  }
0x148: {  	[sflag:s5] =	ssyncadd.s32 $0xFFFFE600  }
0x149: {  	_ =	swait.ge [sflag:s5], $0x1A00  }
0x14a: {  	[sflag:s5] =	ssyncset.done $0x0  }
0x14b: {  	[sflag:s5] =	ssyncadd.s32 $0xFFFFE600  }
0x14c: {  	_ =	swait.ge [sflag:s5], $0x1A00  }
0x14d: {  	[sflag:s5] =	ssyncset.done $0x0  }
0x14e: {  	[sflag:s5] =	ssyncadd.s32 $0xFFFFE600  }
0x14f: {  	_ =	swait.ge [sflag:s5], $0x1A00  }
0x150: {  	[sflag:s5] =	ssyncset.done $0x0  }
0x151: {  	[sflag:s5] =	ssyncadd.s32 $0xFFFFE600  }
0x152: {  	_ =	swait.ge [sflag:s5], $0x1A00  }
0x153: {  	[sflag:s5] =	ssyncset.done $0x0  }
0x154: {  	[sflag:s5] =	ssyncadd.s32 $0xFFFFE600  }
0x155: {  	_ =	swait.ge [sflag:s5], $0x1A00  }
0x156: {  	[sflag:s5] =	ssyncset.done $0x0  }
0x157: {  	[sflag:s5] =	ssyncadd.s32 $0xFFFFE600  }
0x158: {  	_ =	swait.ge [sflag:s5], $0x1A00  }
0x159: {  	[sflag:s5] =	ssyncset.done $0x0  }
0x15a: {  	s24 =	rddreg [dreg:$0x1d];
	[sflag:s5] =	ssyncadd.s32 $0xFFFFE600  }
0x15b: {  	[tilespmem:s7], [sflag:$0x1] =	stream.indirect.gather [hbm4b:s4+s6], $0x40, s24, s6, $0xb8;
	[tilespmem:$0x1AD00] =	vst v63  }
0x15c: {  	s24 =	simm.s32 $0xA28  }
0x15d: {  	[tilespmem:s9], [sflag:$0x1] =	stream.indirect.gather [hbm4b:s4+s6], $0x40, s24, s6, $0xb8;
	[tilespmem:$0x1AD00] =	vst v63  }
0x15e: {  	_ = 	snop  }
0x15f: {  	[tilespmem:s10], [sflag:$0x1] =	stream.indirect.gather [hbm4b:s4+s6], $0x40, s28, s6, $0xb8;
	[tilespmem:$0x1AD00] =	vst v63  }
0x160: {  	_ = 	snop  }
0x161: {  	[tilespmem:s11], [sflag:$0x1] =	stream.indirect.gather [hbm4b:s4+s6], $0x40, s29, s6, $0xb8;
	[tilespmem:$0x1AD00] =	vst v63  }
0x162: {  	_ = 	snop  }
0x163: {  	[tilespmem:s12], [sflag:$0x1] =	stream.indirect.gather [hbm4b:s4+s6], $0x40, s30, s6, $0xb8;
	[tilespmem:$0x1AD00] =	vst v63  }
0x164: {  	_ = 	snop  }
0x165: {  	[tilespmem:s13], [sflag:$0x1] =	stream.indirect.gather [hbm4b:s4+s6], $0x40, s31, s6, $0xb8;
	[tilespmem:$0x1AD00] =	vst v63  }
0x166: {  	_ = 	snop  }
0x167: {  	[tilespmem:s14], [sflag:$0x1] =	stream.indirect.gather [hbm4b:s4+s6], $0x40, s25, s6, $0xb8;
	[tilespmem:$0x1AD00] =	vst v63  }
0x168: {  	_ = 	snop  }
0x169: {  	[tilespmem:s15], [sflag:$0x1] =	stream.indirect.gather [hbm4b:s4+s6], $0x40, s26, s6, $0xb8;
	[tilespmem:$0x1AD00] =	vst v63  }
0x16a: {  	s24 =	rddreg [dreg:$0x6]  }
0x16b: {  	[hbm4b:s24+s2] =	stream.linear.scatter [tilespmem:s8], [sflag:$0x2], $0xD000, $0x38;
	[tilespmem:$0x1AD00] =	vst v63  }
0x16c: {  	_ =	swait.ge [sflag:s3], $0xD000  }
0x16d: {  	[sflag:s3] =	ssyncset.done $0x0  }
0x16e: {  	[sflag:s3] =	ssyncadd.s32 $0xFFFF3000  }
0x16f: {  	_ =	swait.ge [sflag:s5], $0x1A00  }
0x170: {  	[sflag:s5] =	ssyncset.done $0x0  }
0x171: {  	[sflag:s5] =	ssyncadd.s32 $0xFFFFE600  }
0x172: {  	_ =	swait.ge [sflag:s5], $0x1A00  }
0x173: {  	[sflag:s5] =	ssyncset.done $0x0  }
0x174: {  	[sflag:s5] =	ssyncadd.s32 $0xFFFFE600  }
0x175: {  	_ =	swait.ge [sflag:s5], $0x1A00  }
0x176: {  	[sflag:s5] =	ssyncset.done $0x0  }
0x177: {  	[sflag:s5] =	ssyncadd.s32 $0xFFFFE600  }
0x178: {  	_ =	swait.ge [sflag:s5], $0x1A00  }
0x179: {  	[sflag:s5] =	ssyncset.done $0x0  }
0x17a: {  	[sflag:s5] =	ssyncadd.s32 $0xFFFFE600  }
0x17b: {  	_ =	swait.ge [sflag:s5], $0x1A00  }
0x17c: {  	[sflag:s5] =	ssyncset.done $0x0  }
0x17d: {  	[sflag:s5] =	ssyncadd.s32 $0xFFFFE600  }
0x17e: {  	_ =	swait.ge [sflag:s5], $0x1A00  }
0x17f: {  	[sflag:s5] =	ssyncset.done $0x0  }
0x180: {  	[sflag:s5] =	ssyncadd.s32 $0xFFFFE600  }
0x181: {  	_ =	swait.ge [sflag:s5], $0x1A00  }
0x182: {  	[sflag:s5] =	ssyncset.done $0x0  }
0x183: {  	[sflag:s5] =	ssyncadd.s32 $0xFFFFE600  }
0x184: {  	p1 =	sne.s32 s1, $0x1;
	_ =	swait.ge [sflag:s5], $0x1A00  }
.Ltmp2:
0x185: {  	[sflag:s5] =	ssyncset.done $0x0;
	(pc) =	sbr.rel @p1 .LBB2_4-.Ltmp2, $4  }
0x186: {  	s24 =	rddreg [dreg:$0x4];
	[sflag:s5] =	ssyncadd.s32 $0xFFFFE600  }
0x187: {  	[hbm4b:s24+s2] =	stream.linear.scatter [tilespmem:s7], [sflag:$0x2], $0xD000, $0x38;
	[tilespmem:$0x1AD00] =	vst v63  }
0x188: {  	_ =	swait.ge [sflag:s3], $0xD000  }
0x189: {  	s1 =	sadd.s32 $0xFFFFFFFF, s1;
	s0 =	rddreg [dreg:$0x3];
	[sflag:s3] =	ssyncset.done $0x0  }
0x18a: {  	s31 =	simm.s32 $0xBC8  }
0x18b: {  	s30 =	simm.s32 $0xB60;
	s29 =	simm.s32 $0xAF8;
	s28 =	simm.s32 $0xA90  }
0x18c: {  	s26 =	simm.s32 $0xC98;
	s25 =	simm.s32 $0xA28;
	s24 =	stileid.u32  }
.LBB2_6:
0x18d: {  	[sflag:s3] =	ssyncadd.s32 @p0 $0xFFFF3000  }
0x18e: {  	[tilespmem:s2], [sflag:$0x2] =	stream.linear.gather [hbm4b:s0+s2], $0xD00, $0x38;
	[tilespmem:$0x1AD00] =	vst v63  }
0x18f: {  	_ =	swait.ge [sflag:s3], $0xD00  }
0x190: {  	[sflag:s3] =	ssyncset.done $0x0  }
0x191: {  	[sflag:s3] =	ssyncadd.s32 $0xFFFFF300  }
0x192: {  	[tilespmem:s8], [sflag:$0x1] =	stream.indirect.gather [hbm4b:s4+s6], $0x40, s2, s6, $0xb8;
	[tilespmem:$0x1AD00] =	vst v63  }
0x193: {  	_ = 	snop  }
0x194: {  	[tilespmem:s16], [sflag:$0x1] =	stream.indirect.gather [hbm4b:s4+s6], $0x40, s6, s6, $0xb8;
	[tilespmem:$0x1AD00] =	vst v63  }
0x195: {  	s0 =	rddreg [dreg:$0x7]  }
0x196: {  	[tilespmem:s17], [sflag:$0x1] =	stream.indirect.gather [hbm4b:s4+s6], $0x40, s0, s6, $0xb8;
	[tilespmem:$0x1AD00] =	vst v63  }
0x197: {  	s1 =	rddreg [dreg:$0x8]  }
0x198: {  	[tilespmem:s18], [sflag:$0x1] =	stream.indirect.gather [hbm4b:s4+s6], $0x40, s1, s6, $0xb8;
	[tilespmem:$0x1AD00] =	vst v63  }
0x199: {  	s0 =	rddreg [dreg:$0x9]  }
0x19a: {  	[tilespmem:s19], [sflag:$0x1] =	stream.indirect.gather [hbm4b:s4+s6], $0x40, s0, s6, $0xb8;
	[tilespmem:$0x1AD00] =	vst v63  }
0x19b: {  	s1 =	rddreg [dreg:$0xa]  }
0x19c: {  	[tilespmem:s20], [sflag:$0x1] =	stream.indirect.gather [hbm4b:s4+s6], $0x40, s1, s6, $0xb8;
	[tilespmem:$0x1AD00] =	vst v63  }
0x19d: {  	s0 =	rddreg [dreg:$0xb]  }
0x19e: {  	[tilespmem:s22], [sflag:$0x1] =	stream.indirect.gather [hbm4b:s4+s6], $0x40, s0, s6, $0xb8;
	[tilespmem:$0x1AD00] =	vst v63  }
0x19f: {  	s1 =	rddreg [dreg:$0xc]  }
0x1a0: {  	[tilespmem:s23], [sflag:$0x1] =	stream.indirect.gather [hbm4b:s4+s6], $0x40, s1, s6, $0xb8;
	[tilespmem:$0x1AD00] =	vst v63  }
0x1a1: {  	_ =	swait.ge [sflag:s5], $0x1A00  }
0x1a2: {  	[sflag:s5] =	ssyncset.done $0x0  }
0x1a3: {  	[sflag:s5] =	ssyncadd.s32 $0xFFFFE600  }
0x1a4: {  	_ =	swait.ge [sflag:s5], $0x1A00  }
0x1a5: {  	[sflag:s5] =	ssyncset.done $0x0  }
0x1a6: {  	[sflag:s5] =	ssyncadd.s32 $0xFFFFE600  }
0x1a7: {  	_ =	swait.ge [sflag:s5], $0x1A00  }
0x1a8: {  	[sflag:s5] =	ssyncset.done $0x0  }
0x1a9: {  	[sflag:s5] =	ssyncadd.s32 $0xFFFFE600  }
0x1aa: {  	_ =	swait.ge [sflag:s5], $0x1A00  }
0x1ab: {  	[sflag:s5] =	ssyncset.done $0x0  }
0x1ac: {  	[sflag:s5] =	ssyncadd.s32 $0xFFFFE600  }
0x1ad: {  	_ =	swait.ge [sflag:s5], $0x1A00  }
0x1ae: {  	[sflag:s5] =	ssyncset.done $0x0  }
0x1af: {  	[sflag:s5] =	ssyncadd.s32 $0xFFFFE600  }
0x1b0: {  	_ =	swait.ge [sflag:s5], $0x1A00  }
0x1b1: {  	[sflag:s5] =	ssyncset.done $0x0  }
0x1b2: {  	[sflag:s5] =	ssyncadd.s32 $0xFFFFE600  }
0x1b3: {  	_ =	swait.ge [sflag:s5], $0x1A00  }
0x1b4: {  	[sflag:s5] =	ssyncset.done $0x0  }
0x1b5: {  	[sflag:s5] =	ssyncadd.s32 $0xFFFFE600  }
0x1b6: {  	_ =	swait.ge [sflag:s5], $0x1A00  }
0x1b7: {  	[sflag:s5] =	ssyncset.done $0x0  }
0x1b8: {  	s0 =	rddreg [dreg:$0xd];
	[sflag:s5] =	ssyncadd.s32 $0xFFFFE600  }
0x1b9: {  	[tilespmem:s7], [sflag:$0x1] =	stream.indirect.gather [hbm4b:s4+s6], $0x40, s0, s6, $0xb8;
	[tilespmem:$0x1AD00] =	vst v63  }
0x1ba: {  	s1 =	rddreg [dreg:$0xe]  }
0x1bb: {  	[tilespmem:s9], [sflag:$0x1] =	stream.indirect.gather [hbm4b:s4+s6], $0x40, s1, s6, $0xb8;
	[tilespmem:$0x1AD00] =	vst v63  }
0x1bc: {  	s0 =	rddreg [dreg:$0xf]  }
0x1bd: {  	[tilespmem:s10], [sflag:$0x1] =	stream.indirect.gather [hbm4b:s4+s6], $0x40, s0, s6, $0xb8;
	[tilespmem:$0x1AD00] =	vst v63  }
0x1be: {  	s1 =	rddreg [dreg:$0x10]  }
0x1bf: {  	[tilespmem:s11], [sflag:$0x1] =	stream.indirect.gather [hbm4b:s4+s6], $0x40, s1, s6, $0xb8;
	[tilespmem:$0x1AD00] =	vst v63  }
0x1c0: {  	s0 =	rddreg [dreg:$0x11]  }
0x1c1: {  	[tilespmem:s12], [sflag:$0x1] =	stream.indirect.gather [hbm4b:s4+s6], $0x40, s0, s6, $0xb8;
	[tilespmem:$0x1AD00] =	vst v63  }
0x1c2: {  	s1 =	rddreg [dreg:$0x12]  }
0x1c3: {  	[tilespmem:s13], [sflag:$0x1] =	stream.indirect.gather [hbm4b:s4+s6], $0x40, s1, s6, $0xb8;
	[tilespmem:$0x1AD00] =	vst v63  }
0x1c4: {  	s0 =	rddreg [dreg:$0x13]  }
0x1c5: {  	[tilespmem:s14], [sflag:$0x1] =	stream.indirect.gather [hbm4b:s4+s6], $0x40, s0, s6, $0xb8;
	[tilespmem:$0x1AD00] =	vst v63  }
0x1c6: {  	s1 =	rddreg [dreg:$0x14]  }
0x1c7: {  	[tilespmem:s15], [sflag:$0x1] =	stream.indirect.gather [hbm4b:s4+s6], $0x40, s1, s6, $0xb8;
	[tilespmem:$0x1AD00] =	vst v63  }
0x1c8: {  	_ = 	snop  }
0x1c9: {  	[hbm4b:s21+s2] =	stream.linear.scatter [tilespmem:s8], [sflag:$0x2], $0xD000, $0x38;
	[tilespmem:$0x1AD00] =	vst v63  }
0x1ca: {  	_ =	swait.ge [sflag:s3], $0xD000  }
0x1cb: {  	[sflag:s3] =	ssyncset.done $0x0  }
0x1cc: {  	[sflag:s3] =	ssyncadd.s32 $0xFFFF3000  }
0x1cd: {  	_ =	swait.ge [sflag:s5], $0x1A00  }
0x1ce: {  	[sflag:s5] =	ssyncset.done $0x0  }
0x1cf: {  	[sflag:s5] =	ssyncadd.s32 $0xFFFFE600  }
0x1d0: {  	_ =	swait.ge [sflag:s5], $0x1A00  }
0x1d1: {  	[sflag:s5] =	ssyncset.done $0x0  }
0x1d2: {  	[sflag:s5] =	ssyncadd.s32 $0xFFFFE600  }
0x1d3: {  	_ =	swait.ge [sflag:s5], $0x1A00  }
0x1d4: {  	[sflag:s5] =	ssyncset.done $0x0  }
0x1d5: {  	[sflag:s5] =	ssyncadd.s32 $0xFFFFE600  }
0x1d6: {  	_ =	swait.ge [sflag:s5], $0x1A00  }
0x1d7: {  	[sflag:s5] =	ssyncset.done $0x0  }
0x1d8: {  	[sflag:s5] =	ssyncadd.s32 $0xFFFFE600  }
0x1d9: {  	_ =	swait.ge [sflag:s5], $0x1A00  }
0x1da: {  	[sflag:s5] =	ssyncset.done $0x0  }
0x1db: {  	[sflag:s5] =	ssyncadd.s32 $0xFFFFE600  }
0x1dc: {  	_ =	swait.ge [sflag:s5], $0x1A00  }
0x1dd: {  	[sflag:s5] =	ssyncset.done $0x0  }
0x1de: {  	[sflag:s5] =	ssyncadd.s32 $0xFFFFE600  }
0x1df: {  	_ =	swait.ge [sflag:s5], $0x1A00  }
0x1e0: {  	[sflag:s5] =	ssyncset.done $0x0  }
0x1e1: {  	[sflag:s5] =	ssyncadd.s32 $0xFFFFE600  }
0x1e2: {  	_ =	swait.ge [sflag:s5], $0x1A00  }
0x1e3: {  	[sflag:s5] =	ssyncset.done $0x0  }
0x1e4: {  	s21 =	rddreg [dreg:$0x15];
	[sflag:s5] =	ssyncadd.s32 $0xFFFFE600  }
0x1e5: {  	[tilespmem:s8], [sflag:$0x1] =	stream.indirect.gather [hbm4b:s4+s6], $0x40, s21, s6, $0xb8;
	[tilespmem:$0x1AD00] =	vst v63  }
0x1e6: {  	s1 =	rddreg [dreg:$0x16]  }
0x1e7: {  	[tilespmem:s16], [sflag:$0x1] =	stream.indirect.gather [hbm4b:s4+s6], $0x40, s1, s6, $0xb8;
	[tilespmem:$0x1AD00] =	vst v63  }
0x1e8: {  	s21 =	rddreg [dreg:$0x17]  }
0x1e9: {  	[tilespmem:s17], [sflag:$0x1] =	stream.indirect.gather [hbm4b:s4+s6], $0x40, s21, s6, $0xb8;
	[tilespmem:$0x1AD00] =	vst v63  }
0x1ea: {  	s16 =	rddreg [dreg:$0x18]  }
0x1eb: {  	[tilespmem:s18], [sflag:$0x1] =	stream.indirect.gather [hbm4b:s4+s6], $0x40, s16, s6, $0xb8;
	[tilespmem:$0x1AD00] =	vst v63  }
0x1ec: {  	s17 =	rddreg [dreg:$0x19]  }
0x1ed: {  	[tilespmem:s19], [sflag:$0x1] =	stream.indirect.gather [hbm4b:s4+s6], $0x40, s17, s6, $0xb8;
	[tilespmem:$0x1AD00] =	vst v63  }
0x1ee: {  	s18 =	rddreg [dreg:$0x1a]  }
0x1ef: {  	[tilespmem:s20], [sflag:$0x1] =	stream.indirect.gather [hbm4b:s4+s6], $0x40, s18, s6, $0xb8;
	[tilespmem:$0x1AD00] =	vst v63  }
0x1f0: {  	s19 =	rddreg [dreg:$0x1b]  }
0x1f1: {  	[tilespmem:s22], [sflag:$0x1] =	stream.indirect.gather [hbm4b:s4+s6], $0x40, s19, s6, $0xb8;
	[tilespmem:$0x1AD00] =	vst v63  }
0x1f2: {  	s21 =	rddreg [dreg:$0x1c]  }
0x1f3: {  	[tilespmem:s23], [sflag:$0x1] =	stream.indirect.gather [hbm4b:s4+s6], $0x40, s21, s6, $0xb8;
	[tilespmem:$0x1AD00] =	vst v63  }
0x1f4: {  	s22 =	rddreg [dreg:$0x5]  }
0x1f5: {  	[hbm4b:s22+s2] =	stream.linear.scatter [tilespmem:s7], [sflag:$0x2], $0xD000, $0x38;
	[tilespmem:$0x1AD00] =	vst v63  }
0x1f6: {  	_ =	swait.ge [sflag:s3], $0xD000  }
0x1f7: {  	[sflag:s3] =	ssyncset.done $0x0  }
0x1f8: {  	[sflag:s3] =	ssyncadd.s32 $0xFFFF3000  }
0x1f9: {  	_ =	swait.ge [sflag:s5], $0x1A00  }
0x1fa: {  	[sflag:s5] =	ssyncset.done $0x0  }
0x1fb: {  	[sflag:s5] =	ssyncadd.s32 $0xFFFFE600  }
0x1fc: {  	_ =	swait.ge [sflag:s5], $0x1A00  }
0x1fd: {  	[sflag:s5] =	ssyncset.done $0x0  }
0x1fe: {  	[sflag:s5] =	ssyncadd.s32 $0xFFFFE600  }
0x1ff: {  	_ =	swait.ge [sflag:s5], $0x1A00  }
0x200: {  	[sflag:s5] =	ssyncset.done $0x0  }
0x201: {  	[sflag:s5] =	ssyncadd.s32 $0xFFFFE600  }
0x202: {  	_ =	swait.ge [sflag:s5], $0x1A00  }
0x203: {  	[sflag:s5] =	ssyncset.done $0x0  }
0x204: {  	[sflag:s5] =	ssyncadd.s32 $0xFFFFE600  }
0x205: {  	_ =	swait.ge [sflag:s5], $0x1A00  }
0x206: {  	[sflag:s5] =	ssyncset.done $0x0  }
0x207: {  	[sflag:s5] =	ssyncadd.s32 $0xFFFFE600  }
0x208: {  	_ =	swait.ge [sflag:s5], $0x1A00  }
0x209: {  	[sflag:s5] =	ssyncset.done $0x0  }
0x20a: {  	[sflag:s5] =	ssyncadd.s32 $0xFFFFE600  }
0x20b: {  	_ =	swait.ge [sflag:s5], $0x1A00  }
0x20c: {  	[sflag:s5] =	ssyncset.done $0x0  }
0x20d: {  	[sflag:s5] =	ssyncadd.s32 $0xFFFFE600  }
0x20e: {  	_ =	swait.ge [sflag:s5], $0x1A00  }
0x20f: {  	[sflag:s5] =	ssyncset.done $0x0  }
0x210: {  	s23 =	rddreg [dreg:$0x1d];
	[sflag:s5] =	ssyncadd.s32 $0xFFFFE600  }
0x211: {  	[tilespmem:s7], [sflag:$0x1] =	stream.indirect.gather [hbm4b:s4+s6], $0x40, s23, s6, $0xb8;
	[tilespmem:$0x1AD00] =	vst v63  }
0x212: {  	_ = 	snop  }
0x213: {  	[tilespmem:s9], [sflag:$0x1] =	stream.indirect.gather [hbm4b:s4+s6], $0x40, s25, s6, $0xb8;
	[tilespmem:$0x1AD00] =	vst v63  }
0x214: {  	_ = 	snop  }
0x215: {  	[tilespmem:s10], [sflag:$0x1] =	stream.indirect.gather [hbm4b:s4+s6], $0x40, s28, s6, $0xb8;
	[tilespmem:$0x1AD00] =	vst v63  }
0x216: {  	_ = 	snop  }
0x217: {  	[tilespmem:s11], [sflag:$0x1] =	stream.indirect.gather [hbm4b:s4+s6], $0x40, s29, s6, $0xb8;
	[tilespmem:$0x1AD00] =	vst v63  }
0x218: {  	_ = 	snop  }
0x219: {  	[tilespmem:s12], [sflag:$0x1] =	stream.indirect.gather [hbm4b:s4+s6], $0x40, s30, s6, $0xb8;
	[tilespmem:$0x1AD00] =	vst v63  }
0x21a: {  	_ = 	snop  }
0x21b: {  	[tilespmem:s13], [sflag:$0x1] =	stream.indirect.gather [hbm4b:s4+s6], $0x40, s31, s6, $0xb8;
	[tilespmem:$0x1AD00] =	vst v63  }
0x21c: {  	s29 =	simm.s32 $0xC30  }
0x21d: {  	[tilespmem:s14], [sflag:$0x1] =	stream.indirect.gather [hbm4b:s4+s6], $0x40, s29, s6, $0xb8;
	[tilespmem:$0x1AD00] =	vst v63  }
0x21e: {  	_ = 	snop  }
0x21f: {  	[tilespmem:s15], [sflag:$0x1] =	stream.indirect.gather [hbm4b:s4+s6], $0x40, s26, s6, $0xb8;
	[tilespmem:$0x1AD00] =	vst v63  }
0x220: {  	s30 =	rddreg [dreg:$0x6]  }
0x221: {  	[hbm4b:s30+s2] =	stream.linear.scatter [tilespmem:s8], [sflag:$0x2], $0xD000, $0x38;
	[tilespmem:$0x1AD00] =	vst v63  }
0x222: {  	_ =	swait.ge [sflag:s3], $0xD000  }
0x223: {  	[sflag:s3] =	ssyncset.done $0x0  }
0x224: {  	[sflag:s3] =	ssyncadd.s32 $0xFFFF3000  }
0x225: {  	_ =	swait.ge [sflag:s5], $0x1A00  }
0x226: {  	[sflag:s5] =	ssyncset.done $0x0  }
0x227: {  	[sflag:s5] =	ssyncadd.s32 $0xFFFFE600  }
0x228: {  	_ =	swait.ge [sflag:s5], $0x1A00  }
0x229: {  	[sflag:s5] =	ssyncset.done $0x0  }
0x22a: {  	[sflag:s5] =	ssyncadd.s32 $0xFFFFE600  }
0x22b: {  	_ =	swait.ge [sflag:s5], $0x1A00  }
0x22c: {  	[sflag:s5] =	ssyncset.done $0x0  }
0x22d: {  	[sflag:s5] =	ssyncadd.s32 $0xFFFFE600  }
0x22e: {  	_ =	swait.ge [sflag:s5], $0x1A00  }
0x22f: {  	[sflag:s5] =	ssyncset.done $0x0  }
0x230: {  	[sflag:s5] =	ssyncadd.s32 $0xFFFFE600  }
0x231: {  	_ =	swait.ge [sflag:s5], $0x1A00  }
0x232: {  	[sflag:s5] =	ssyncset.done $0x0  }
0x233: {  	[sflag:s5] =	ssyncadd.s32 $0xFFFFE600  }
0x234: {  	_ =	swait.ge [sflag:s5], $0x1A00  }
0x235: {  	[sflag:s5] =	ssyncset.done $0x0  }
0x236: {  	[sflag:s5] =	ssyncadd.s32 $0xFFFFE600  }
0x237: {  	_ =	swait.ge [sflag:s5], $0x1A00  }
0x238: {  	[sflag:s5] =	ssyncset.done $0x0  }
0x239: {  	[sflag:s5] =	ssyncadd.s32 $0xFFFFE600  }
0x23a: {  	_ =	swait.ge [sflag:s5], $0x1A00  }
0x23b: {  	[sflag:s5] =	ssyncset.done $0x0  }
0x23c: {  	s31 =	rddreg [dreg:$0x4];
	[sflag:s5] =	ssyncadd.s32 $0xFFFFE600  }
0x23d: {  	[hbm4b:s31+s2] =	stream.linear.scatter [tilespmem:s7], [sflag:$0x2], $0xD000, $0x38;
	[tilespmem:$0x1AD00] =	vst v63  }
0x23e: {  	_ =	swait.ge [sflag:s3], $0xD000  }
0x23f: {  	[sflag:s3] =	ssyncset.done $0x0  }
0x240: {  	[sflag:s3] =	ssyncadd.s32 $0xFFFF3000  }
0x241: {  	_ =	sfence.sel $0x180000  }
0x242: {  	[bflag:$0x0] =	sbarrier.arrive $0xFFFF  }
0x243: {  	_ =	strace $0x90000047  }
0x244: {  	[bflag:$0x2] =	sbarrier.arrive $0xFFFF  }
0x245: {  	p0 =	sne.s32 s24, $0x0;
	s0 =	rddreg [dreg:$0x2]  }
0x246: {  	s0 =	sadd.s32 @!p0 $0x100000, s0  }
0x247: {  	[sflag:s0] =	ssyncadd.tile.s32 @!p0 $0x1;
	_ =	shalt  }
.LBB2_1:
.Ltmp3:
0x248: {  	(pc) =	sbr.rel .LBB2_6-.Ltmp3, $3  }
0x249: {  	_ =	sdelay $0x1  }
0x24a: {  	s31 =	simm.s32 $0xBC8;
	s30 =	simm.s32 $0xB60;
	s29 =	simm.s32 $0xAF8  }
0x24b: {  	s28 =	simm.s32 $0xA90;
	s26 =	simm.s32 $0xC98;
	s25 =	simm.s32 $0xA28  }
.LBB2_3:
.Ltmp4:
0x24c: {  	(pc) =	sbr.rel .LBB2_6-.Ltmp4, $4  }
0x24d: {  	_ = 	snop  }
0x24e: {  	s31 =	simm.s32 $0xBC8  }
0x24f: {  	s30 =	simm.s32 $0xB60;
	s29 =	simm.s32 $0xAF8;
	s28 =	simm.s32 $0xA90  }
0x250: {  	s26 =	simm.s32 $0xC98;
	s25 =	simm.s32 $0xA28;
	s24 =	stileid.u32  }
.Lfunc_end2:
_tile_overlayer_lowered:
.L_overlay_start_2:
0x251: {  	(tag) =	ssettag $0x2  }
0x252: {  	s0 =	rddreg [dreg:$0x0];
	s2 =	stileid.u32  }
0x253: {  	s1 =	rddreg [dreg:$0x1];
	p0 =	sne.s32 s2, $0x0  }
0x254: {  	s3 =	rddreg [dreg:$0x2];
	[bflag:$0x3] =	sbarrier.arrive $0xFFFF;
	s2 =	simm.s32 @!p0 $0x1C02  }
0x255: {  	[timem:s3], [sflag:s2] =	dma.local @!p0 [hbm:s0], s1  }
0x256: {  	s0 =	simm.s32 @!p0 $0x2  }
0x257: {  	_ =	swait.ge @!p0 [sflag:s0], s1  }
0x258: {  	s1 =	ssub.s32 @!p0 $0x0, s1;
	[sflag:s0] =	ssyncset.done @!p0 $0x0  }
0x259: {  	[sflag:s0] =	ssyncadd.s32 @!p0 s1  }
0x25a: {  	[bflag:$0x3] =	sbarrier.arrive $0xFFFF  }
0x25b: {  	_ =	shalt  }

</sc_bundles>
